<compile_context>
chip_gen: v7x
topology: tpu7x:2x2x1
jax: 0.10.2.dev20260603
libtpu: 0.0.44.dev20260713+nightly
codegen_flags: <defaults>
</compile_context>

<pallas_src>
import functools

import jax
import jax.numpy as jnp
from jax import lax
from jax.experimental import pallas as pl
from jax.experimental.pallas import tpu as pltpu
from jax.experimental.pallas import tpu_sc as plsc

B, N, C = 64, 8732, 81
NP = 8736
SL = NP // 16
V0, V1 = 0.1, 0.2
TOP_BITS = 0x7F800000


LANE = 128
NFULL = N // LANE
NTAIL = N - NFULL * LANE
CSUB = C // 8


def _tc_body(pconf_ref, ploc_ref, gloc_ref, glabel_ref, dxy_ref, invdwh_ref,
             logdwh_ref, closs_ref, conneg_ref, stats_ref):
    def chunk(col, width):
        sl = pl.ds(col, width)
        g = glabel_ref[0, 0, sl]
        rows = [pconf_ref[0, pl.ds(8 * j, 8), sl] for j in range(CSUB)]
        last = pconf_ref[0, C - 1, sl]
        macc = rows[0]
        for j in range(1, CSUB):
            macc = jnp.maximum(macc, rows[j])
        mx = jnp.maximum(jnp.max(macc, axis=0), last)
        mxb = mx[None, :]
        g8 = g[None, :]
        sacc = jnp.zeros((8, width), jnp.float32)
        selacc = jnp.zeros((8, width), jnp.float32)
        for j in range(CSUB):
            sacc = sacc + jnp.exp(rows[j] - mxb)
            cls = lax.broadcasted_iota(jnp.int32, (8, width), 0) + 8 * j
            selacc = selacc + jnp.where(cls == g8, rows[j], 0.0)
        s = jnp.sum(sacc, axis=0) + jnp.exp(last - mx)
        sel = jnp.sum(selacc, axis=0) + jnp.where(g == C - 1, last, 0.0)
        closs = mx + jnp.log(s) - sel
        mask = g > 0
        maskf = mask.astype(jnp.float32)
        conneg = jnp.where(mask, 0.0, closs)
        closs_ref[0, 0, sl] = closs
        conneg_ref[0, 0, sl] = lax.bitcast_convert_type(conneg, jnp.int32)
        return closs * maskf, maskf

    def body(t, carry):
        pv, nv = carry
        cp, mf = chunk(t * LANE, LANE)
        return pv + cp, nv + mf

    pv, nv = lax.fori_loop(
        0, NFULL, body,
        (jnp.zeros((LANE,), jnp.float32), jnp.zeros((LANE,), jnp.float32)))
    ct, mt = chunk(NFULL * LANE, NTAIL)
    pos_sum = jnp.sum(pv) + jnp.sum(ct)
    npos = jnp.sum(nv) + jnp.sum(mt)

    glabel = glabel_ref[0, 0]
    maskf_all = (glabel > 0).astype(jnp.float32)
    ploc = ploc_ref[0]
    gloc = gloc_ref[0]
    gxy = (gloc[:2] - dxy_ref[0]) * invdwh_ref[0]
    gwh = (jnp.log(gloc[2:]) - logdwh_ref[0]) * (1.0 / V1)
    g = jnp.concatenate([gxy, gwh], axis=0)
    d = ploc - g
    ad = jnp.abs(d)
    sl1 = jnp.sum(jnp.where(ad < 1.0, 0.5 * d * d, ad - 0.5), axis=0)
    loc_loss = jnp.sum(sl1 * maskf_all)
    stats_ref[0, 0] = jnp.stack([loc_loss, pos_sum, npos])


def _tc_stage(pconf, ploc, gloc, glabel3, dxy, invdwh, logdwh):
    return pl.pallas_call(
        _tc_body,
        grid=(B,),
        in_specs=[
            pl.BlockSpec((1, C, N), lambda b: (b, 0, 0)),
            pl.BlockSpec((1, 4, N), lambda b: (b, 0, 0)),
            pl.BlockSpec((1, 4, N), lambda b: (b, 0, 0)),
            pl.BlockSpec((1, 1, N), lambda b: (b, 0, 0)),
            pl.BlockSpec((1, 2, N), lambda b: (0, 0, 0)),
            pl.BlockSpec((1, 2, N), lambda b: (0, 0, 0)),
            pl.BlockSpec((1, 2, N), lambda b: (0, 0, 0)),
        ],
        out_specs=[
            pl.BlockSpec((1, 1, N), lambda b: (b, 0, 0)),
            pl.BlockSpec((1, 1, N), lambda b: (b, 0, 0)),
            pl.BlockSpec((1, 1, 3), lambda b: (b, 0, 0)),
        ],
        out_shape=[
            jax.ShapeDtypeStruct((B, 1, N), jnp.float32),
            jax.ShapeDtypeStruct((B, 1, N), jnp.int32),
            jax.ShapeDtypeStruct((B, 1, 3), jnp.float32),
        ],
    )(pconf, ploc, gloc, glabel3, dxy, invdwh, logdwh)


def _sc_mining(conneg_hbm, closs_hbm, k_hbm, out_hbm, cn_v, cl_v, k_v, o_v):
    cid = lax.axis_index("c")
    sid = lax.axis_index("s")
    wid = sid * 2 + cid
    zi = jnp.zeros((16,), jnp.int32)
    zf = jnp.zeros((16,), jnp.float32)
    oi = jnp.full((16,), 1, jnp.int32)

    for r in range(2):
        row = wid * 2 + r
        pltpu.sync_copy(conneg_hbm.at[row], cn_v.at[r])
        pltpu.sync_copy(closs_hbm.at[row], cl_v.at[r])
        pltpu.sync_copy(k_hbm.at[row], k_v)
        kk = k_v[...]

        def bits_at(i):
            return cn_v[r, pl.ds(i * 16, 16)]

        def gt_pass(vkb):
            def gt_body(i, st):
                cg, sg = st
                gt = bits_at(i) > vkb
                c = cl_v[r, pl.ds(i * 16, 16)]
                return cg + jnp.where(gt, oi, zi), sg + jnp.where(gt, c, zf)

            cgv, sgv = lax.fori_loop(0, SL, gt_body, (zi, zf))
            return jnp.sum(cgv), jnp.sum(sgv)

        cnt0, sum0 = gt_pass(zi)

        def slow(_):
            def bis(_, st):
                lo, hi = st
                mid = lo + lax.shift_right_logical(hi - lo, 1)

                def cnt_body(i, acc):
                    return acc + jnp.where(bits_at(i) >= mid, oi, zi)

                cnt = jnp.sum(lax.fori_loop(0, SL, cnt_body, zi))
                pred = jnp.full((16,), cnt, jnp.int32) >= kk
                return jnp.where(pred, mid, lo), jnp.where(pred, hi, mid)

            vkb, _ = lax.fori_loop(
                0, 31, bis, (jnp.full((16,), 1, jnp.int32),
                             jnp.full((16,), TOP_BITS, jnp.int32)))
            cg, sg = gt_pass(vkb)
            return vkb, cg, sg

        vkb, count_gt, sum_gt = lax.cond(
            cnt0 < jnp.max(kk),
            lambda _: (zi, cnt0, sum0), slow, 0)
        m = kk - jnp.full((16,), count_gt, jnp.int32)

        def tie_body(i, st):
            carry, acc = st
            tie = bits_at(i) == vkb
            pref = plsc.cumsum(jnp.where(tie, oi, zi)) + carry
            sel = tie & (pref <= m)
            c = cl_v[r, pl.ds(i * 16, 16)]
            acc = acc + jnp.where(sel, c, zf)
            carry = carry + plsc.all_reduce_population_count(tie)
            return carry, acc

        _, accv = lax.fori_loop(0, SL, tie_body, (zi, zf))
        o_v[...] = jnp.full((16,), sum_gt + jnp.sum(accv), jnp.float32)
        pltpu.sync_copy(o_v, out_hbm.at[row])


def _sc_stage(conneg, closs, kvec):
    mesh = plsc.VectorSubcoreMesh(core_axis_name="c", subcore_axis_name="s")
    return pl.kernel(
        _sc_mining,
        out_type=jax.ShapeDtypeStruct((B, 16), jnp.float32),
        mesh=mesh,
        compiler_params=pltpu.CompilerParams(needs_layout_passes=False),
        scratch_types=[
            pltpu.VMEM((2, NP), jnp.int32),
            pltpu.VMEM((2, NP), jnp.float32),
            pltpu.VMEM((16,), jnp.int32),
            pltpu.VMEM((16,), jnp.float32),
        ],
    )(conneg, closs, kvec)


@jax.jit
def kernel(ploc, pconf, gloc, glabel, dboxes):
    dxy = dboxes[:, :2, :]
    dwh = dboxes[:, 2:, :]
    invdwh = 1.0 / (V0 * dwh)
    logdwh = jnp.log(dwh)
    glabel3 = glabel[:, None, :]

    closs, conneg, stats = _tc_stage(
        pconf, ploc, gloc, glabel3, dxy, invdwh, logdwh)
    closs = closs[:, 0, :]
    conneg = conneg[:, 0, :]
    loc_loss = stats[:, 0, 0]
    pos_sum = stats[:, 0, 1]
    num_pos = stats[:, 0, 2]

    pad = ((0, 0), (0, NP - N))
    closs_p = jnp.pad(closs, pad)
    conneg_p = jnp.pad(conneg, pad)
    k = jnp.minimum(3 * num_pos.astype(jnp.int32), N)
    kvec = jnp.broadcast_to(k[:, None], (B, 16)).astype(jnp.int32)

    neg_sum = _sc_stage(conneg_p, closs_p, kvec)[:, 0]

    total = loc_loss + pos_sum + neg_sum
    num_mask = (num_pos > 0).astype(jnp.float32)
    return (total * num_mask / jnp.maximum(num_pos, 1e-6)).mean(axis=0)

# --- scband reference (transcript-rebuilt; emitter-appended) ---
"""Pipeline reference for scband-multi-box-loss-75960791597452 (READ-ONLY COPY).

The authoritative reference and input builder live on the scoring server;
editing this copy changes nothing except your own understanding.
"""

import jax, jax.numpy as jnp
import numpy as np

VARIANCES = (0.1, 0.2)
B, N, C = 64, 8732, 81

def point_form(boxes):
    # boxes: [N, 4] in (cx, cy, w, h) -> (xmin, ymin, xmax, ymax)
    return jnp.concatenate([boxes[:, :2] - boxes[:, 2:] / 2.0,
                            boxes[:, :2] + boxes[:, 2:] / 2.0], axis=1)

def setup_inputs(seed: int = 0) -> dict:
    key = jax.random.key(seed)
    k1, k2, k3, k4, k5 = jax.random.split(key, 5)
    ploc = jax.random.normal(k1, (B, 4, N), dtype=jnp.float32)
    pconf = jax.random.normal(k2, (B, C, N), dtype=jnp.float32)
    # ground-truth boxes kept strictly positive so the log() in _to_offsets is finite
    gloc = jax.random.uniform(k3, (B, 4, N), dtype=jnp.float32, minval=0.1, maxval=1.0)
    glabel = jax.random.randint(k4, (B, N), 0, C, dtype=jnp.int32)
    # default boxes (cx, cy, w, h), strictly positive -> point-form upper corners > 0
    raw = jax.random.uniform(k5, (N, 4), dtype=jnp.float32, minval=0.1, maxval=0.9)
    dboxes = jnp.transpose(point_form(raw), (1, 0))[None, :, :]  # [1, 4, N]
    return {"ploc": ploc, "pconf": pconf, "gloc": gloc, "glabel": glabel, "dboxes": dboxes}

def _smooth_l1(x, y):
    d = x - y
    ad = jnp.abs(d)
    return jnp.where(ad < 1.0, 0.5 * d * d, ad - 0.5)

def reference(ploc, pconf, gloc, glabel, dboxes):
    v0, v1 = VARIANCES
    mask = glabel > 0                        # [B, N]
    num_pos = mask.sum(axis=1)               # [B]
    # _to_offsets
    dxy = dboxes[:, :2, :]
    dwh = dboxes[:, 2:, :]
    gxy = (gloc[:, :2, :] - dxy) / (v0 * dwh)
    gwh = jnp.log(gloc[:, 2:, :] / dwh) / v1
    gloc_offset = jnp.concatenate([gxy, gwh], axis=1)  # [B, 4, N]
    # localization loss
    loc_loss = _smooth_l1(ploc, gloc_offset).sum(axis=1)        # [B, N]
    loc_loss = (mask.astype(jnp.float32) * loc_loss).sum(axis=1)  # [B]
    # confidence loss: CrossEntropy(reduction='none') over class dim 1
    logp = pconf - jax.scipy.special.logsumexp(pconf, axis=1, keepdims=True)
    closs = -jnp.take_along_axis(logp, glabel[:, None, :], axis=1)[:, 0, :]  # [B, N]
    # hard negative mining
    con_neg = jnp.where(mask, 0.0, closs)
    con_idx = jnp.argsort(-con_neg, axis=1)   # descending sort indices
    con_rank = jnp.argsort(con_idx, axis=1)
    neg_num = jnp.minimum(3 * num_pos, mask.shape[1])[:, None]
    neg_mask = con_rank < neg_num
    con_loss = (closs * (mask.astype(jnp.float32) + neg_mask.astype(jnp.float32))).sum(axis=1)
    total_loss = loc_loss + con_loss
    num_mask = (num_pos > 0).astype(jnp.float32)
    num_pos_f = jnp.maximum(num_pos.astype(jnp.float32), 1e-06)
    return (total_loss * num_mask / num_pos_f).mean(axis=0)

if __name__ == "__main__":
    import jax
    _d = setup_inputs()
    print(jax.jit(kernel)(*tuple(_d.values())))

</pallas_src>

<mosaic_0001>
#map = affine_map<(d0, d1) -> (0, 0)>
module attributes {stable_mosaic.version = 14 : i64} {
  func.func @_sc_mining(%arg0: i32, %arg1: i32, %arg2: memref<64x8736xi32, #tpu.memory_space<hbm>>, %arg3: memref<64x8736xf32, #tpu.memory_space<hbm>>, %arg4: memref<64x16xi32, #tpu.memory_space<hbm>>, %arg5: memref<64x16xf32, #tpu.memory_space<hbm>>, %arg6: memref<2x8736xi32, #tpu.memory_space<vmem>>, %arg7: memref<2x8736xf32, #tpu.memory_space<vmem>>, %arg8: memref<16xi32, #tpu.memory_space<vmem>>, %arg9: memref<16xf32, #tpu.memory_space<vmem>>) attributes {dimension_semantics = [#tpu.dimension_semantics<core_parallel>, #tpu.dimension_semantics<subcore_parallel>], iteration_bounds = array<i64: 2, 16>, scalar_prefetch = 0 : i64, scratch_operands = 4 : i64, tpu.core_type = #tpu.core_type<sc_vector_subcore>, window_params = [{transform_indices = #map}, {transform_indices = #map}, {transform_indices = #map}, {transform_indices = #map}]} {
    %mul3A = arith.constant 2 : i32
    %mul3A_0 = arith.muli %arg1, %mul3A : i32
    %add3A = arith.addi %mul3A_0, %arg0 : i32
    %broadcast_in_dim3A = arith.constant 0 : i32
    %broadcast_in_dim3A_1 = vector.broadcast %broadcast_in_dim3A : i32 to vector<16xi32>
    %broadcast_in_dim3A_2 = arith.constant 0.000000e+00 : f32
    %broadcast_in_dim3A_3 = vector.broadcast %broadcast_in_dim3A_2 : f32 to vector<16xf32>
    %broadcast_in_dim3A_4 = arith.constant 1 : i32
    %broadcast_in_dim3A_5 = vector.broadcast %broadcast_in_dim3A_4 : i32 to vector<16xi32>
    %mul3A_6 = arith.constant 2 : i32
    %mul3A_7 = arith.muli %add3A, %mul3A_6 : i32
    %add3A_8 = arith.constant 0 : i32
    %add3A_9 = arith.addi %mul3A_7, %add3A_8 : i32
    %run_scoped3A = arith.constant 0 : i32
    "tpu.region"() ({
      %run_scoped3A_100 = tpu.sem_alloc : memref<!tpu.dma_semaphore, #tpu.memory_space<semaphore_mem>>
      %dma_start3A = arith.constant 0 : i32
      %dma_start3A_101 = tpu.memref_slice %arg6[%run_scoped3A, %dma_start3A] : memref<2x8736xi32, #tpu.memory_space<vmem>> -> memref<1x8736xi32, #tpu.memory_space<vmem>>
      %dma_start3A_102 = tpu.memref_squeeze %dma_start3A_101 : memref<1x8736xi32, #tpu.memory_space<vmem>> -> memref<8736xi32, #tpu.memory_space<vmem>>
      %dma_start3A_103 = arith.constant 0 : i32
      %dma_start3A_104 = tpu.memref_slice %arg2[%add3A_9, %dma_start3A_103] : memref<64x8736xi32, #tpu.memory_space<hbm>> -> memref<1x8736xi32, #tpu.memory_space<hbm>>
      %dma_start3A_105 = tpu.memref_squeeze %dma_start3A_104 : memref<1x8736xi32, #tpu.memory_space<hbm>> -> memref<8736xi32, #tpu.memory_space<hbm>>
      %dma_start3A_106 = arith.constant 0 : i32
      %dma_start3A_107 = tpu.memref_slice %arg6[%run_scoped3A, %dma_start3A_106] : memref<2x8736xi32, #tpu.memory_space<vmem>> -> memref<1x8736xi32, #tpu.memory_space<vmem>>
      %dma_start3A_108 = tpu.memref_squeeze %dma_start3A_107 : memref<1x8736xi32, #tpu.memory_space<vmem>> -> memref<8736xi32, #tpu.memory_space<vmem>>
      %dma_start3A_109 = arith.constant 0 : i32
      %dma_start3A_110 = tpu.memref_slice %arg2[%add3A_9, %dma_start3A_109] : memref<64x8736xi32, #tpu.memory_space<hbm>> -> memref<1x8736xi32, #tpu.memory_space<hbm>>
      %dma_start3A_111 = tpu.memref_squeeze %dma_start3A_110 : memref<1x8736xi32, #tpu.memory_space<hbm>> -> memref<8736xi32, #tpu.memory_space<hbm>>
      tpu.enqueue_dma source(%dma_start3A_111 : memref<8736xi32, #tpu.memory_space<hbm>>) target(%dma_start3A_108 : memref<8736xi32, #tpu.memory_space<vmem>>) target_semaphore(%run_scoped3A_100 : memref<!tpu.dma_semaphore, #tpu.memory_space<semaphore_mem>>)
      %dma_wait3A = arith.constant 0 : i32
      %dma_wait3A_112 = tpu.memref_slice %arg6[%run_scoped3A, %dma_wait3A] : memref<2x8736xi32, #tpu.memory_space<vmem>> -> memref<1x8736xi32, #tpu.memory_space<vmem>>
      %dma_wait3A_113 = tpu.memref_squeeze %dma_wait3A_112 : memref<1x8736xi32, #tpu.memory_space<vmem>> -> memref<8736xi32, #tpu.memory_space<vmem>>
      %dma_wait3A_114 = arith.constant 0 : i32
      %dma_wait3A_115 = tpu.memref_slice %arg2[%add3A_9, %dma_wait3A_114] : memref<64x8736xi32, #tpu.memory_space<hbm>> -> memref<1x8736xi32, #tpu.memory_space<hbm>>
      %dma_wait3A_116 = tpu.memref_squeeze %dma_wait3A_115 : memref<1x8736xi32, #tpu.memory_space<hbm>> -> memref<8736xi32, #tpu.memory_space<hbm>>
      %dma_wait3A_117 = arith.constant 0 : i32
      %dma_wait3A_118 = tpu.memref_slice %arg6[%run_scoped3A, %dma_wait3A_117] : memref<2x8736xi32, #tpu.memory_space<vmem>> -> memref<1x8736xi32, #tpu.memory_space<vmem>>
      %dma_wait3A_119 = tpu.memref_squeeze %dma_wait3A_118 : memref<1x8736xi32, #tpu.memory_space<vmem>> -> memref<8736xi32, #tpu.memory_space<vmem>>
      %dma_wait3A_120 = arith.constant 0 : i32
      %dma_wait3A_121 = tpu.memref_slice %arg2[%add3A_9, %dma_wait3A_120] : memref<64x8736xi32, #tpu.memory_space<hbm>> -> memref<1x8736xi32, #tpu.memory_space<hbm>>
      %dma_wait3A_122 = tpu.memref_squeeze %dma_wait3A_121 : memref<1x8736xi32, #tpu.memory_space<hbm>> -> memref<8736xi32, #tpu.memory_space<hbm>>
      tpu.wait_dma2 semaphore(%run_scoped3A_100 : memref<!tpu.dma_semaphore, #tpu.memory_space<semaphore_mem>>) src(%dma_wait3A_122 : memref<8736xi32, #tpu.memory_space<hbm>>) dst(%dma_wait3A_119 : memref<8736xi32, #tpu.memory_space<vmem>>)
      tpu.yield
    }) : () -> ()
    %run_scoped3A_10 = arith.constant 0 : i32
    "tpu.region"() ({
      %run_scoped3A_100 = tpu.sem_alloc : memref<!tpu.dma_semaphore, #tpu.memory_space<semaphore_mem>>
      %dma_start3A = arith.constant 0 : i32
      %dma_start3A_101 = tpu.memref_slice %arg7[%run_scoped3A_10, %dma_start3A] : memref<2x8736xf32, #tpu.memory_space<vmem>> -> memref<1x8736xf32, #tpu.memory_space<vmem>>
      %dma_start3A_102 = tpu.memref_squeeze %dma_start3A_101 : memref<1x8736xf32, #tpu.memory_space<vmem>> -> memref<8736xf32, #tpu.memory_space<vmem>>
      %dma_start3A_103 = arith.constant 0 : i32
      %dma_start3A_104 = tpu.memref_slice %arg3[%add3A_9, %dma_start3A_103] : memref<64x8736xf32, #tpu.memory_space<hbm>> -> memref<1x8736xf32, #tpu.memory_space<hbm>>
      %dma_start3A_105 = tpu.memref_squeeze %dma_start3A_104 : memref<1x8736xf32, #tpu.memory_space<hbm>> -> memref<8736xf32, #tpu.memory_space<hbm>>
      %dma_start3A_106 = arith.constant 0 : i32
      %dma_start3A_107 = tpu.memref_slice %arg7[%run_scoped3A_10, %dma_start3A_106] : memref<2x8736xf32, #tpu.memory_space<vmem>> -> memref<1x8736xf32, #tpu.memory_space<vmem>>
      %dma_start3A_108 = tpu.memref_squeeze %dma_start3A_107 : memref<1x8736xf32, #tpu.memory_space<vmem>> -> memref<8736xf32, #tpu.memory_space<vmem>>
      %dma_start3A_109 = arith.constant 0 : i32
      %dma_start3A_110 = tpu.memref_slice %arg3[%add3A_9, %dma_start3A_109] : memref<64x8736xf32, #tpu.memory_space<hbm>> -> memref<1x8736xf32, #tpu.memory_space<hbm>>
      %dma_start3A_111 = tpu.memref_squeeze %dma_start3A_110 : memref<1x8736xf32, #tpu.memory_space<hbm>> -> memref<8736xf32, #tpu.memory_space<hbm>>
      tpu.enqueue_dma source(%dma_start3A_111 : memref<8736xf32, #tpu.memory_space<hbm>>) target(%dma_start3A_108 : memref<8736xf32, #tpu.memory_space<vmem>>) target_semaphore(%run_scoped3A_100 : memref<!tpu.dma_semaphore, #tpu.memory_space<semaphore_mem>>)
      %dma_wait3A = arith.constant 0 : i32
      %dma_wait3A_112 = tpu.memref_slice %arg7[%run_scoped3A_10, %dma_wait3A] : memref<2x8736xf32, #tpu.memory_space<vmem>> -> memref<1x8736xf32, #tpu.memory_space<vmem>>
      %dma_wait3A_113 = tpu.memref_squeeze %dma_wait3A_112 : memref<1x8736xf32, #tpu.memory_space<vmem>> -> memref<8736xf32, #tpu.memory_space<vmem>>
      %dma_wait3A_114 = arith.constant 0 : i32
      %dma_wait3A_115 = tpu.memref_slice %arg3[%add3A_9, %dma_wait3A_114] : memref<64x8736xf32, #tpu.memory_space<hbm>> -> memref<1x8736xf32, #tpu.memory_space<hbm>>
      %dma_wait3A_116 = tpu.memref_squeeze %dma_wait3A_115 : memref<1x8736xf32, #tpu.memory_space<hbm>> -> memref<8736xf32, #tpu.memory_space<hbm>>
      %dma_wait3A_117 = arith.constant 0 : i32
      %dma_wait3A_118 = tpu.memref_slice %arg7[%run_scoped3A_10, %dma_wait3A_117] : memref<2x8736xf32, #tpu.memory_space<vmem>> -> memref<1x8736xf32, #tpu.memory_space<vmem>>
      %dma_wait3A_119 = tpu.memref_squeeze %dma_wait3A_118 : memref<1x8736xf32, #tpu.memory_space<vmem>> -> memref<8736xf32, #tpu.memory_space<vmem>>
      %dma_wait3A_120 = arith.constant 0 : i32
      %dma_wait3A_121 = tpu.memref_slice %arg3[%add3A_9, %dma_wait3A_120] : memref<64x8736xf32, #tpu.memory_space<hbm>> -> memref<1x8736xf32, #tpu.memory_space<hbm>>
      %dma_wait3A_122 = tpu.memref_squeeze %dma_wait3A_121 : memref<1x8736xf32, #tpu.memory_space<hbm>> -> memref<8736xf32, #tpu.memory_space<hbm>>
      tpu.wait_dma2 semaphore(%run_scoped3A_100 : memref<!tpu.dma_semaphore, #tpu.memory_space<semaphore_mem>>) src(%dma_wait3A_122 : memref<8736xf32, #tpu.memory_space<hbm>>) dst(%dma_wait3A_119 : memref<8736xf32, #tpu.memory_space<vmem>>)
      tpu.yield
    }) : () -> ()
    "tpu.region"() ({
      %run_scoped3A_100 = tpu.sem_alloc : memref<!tpu.dma_semaphore, #tpu.memory_space<semaphore_mem>>
      %dma_start3A = arith.constant 0 : i32
      %dma_start3A_101 = tpu.memref_slice %arg4[%add3A_9, %dma_start3A] : memref<64x16xi32, #tpu.memory_space<hbm>> -> memref<1x16xi32, #tpu.memory_space<hbm>>
      %dma_start3A_102 = tpu.memref_squeeze %dma_start3A_101 : memref<1x16xi32, #tpu.memory_space<hbm>> -> memref<16xi32, #tpu.memory_space<hbm>>
      %dma_start3A_103 = arith.constant 0 : i32
      %dma_start3A_104 = tpu.memref_slice %arg4[%add3A_9, %dma_start3A_103] : memref<64x16xi32, #tpu.memory_space<hbm>> -> memref<1x16xi32, #tpu.memory_space<hbm>>
      %dma_start3A_105 = tpu.memref_squeeze %dma_start3A_104 : memref<1x16xi32, #tpu.memory_space<hbm>> -> memref<16xi32, #tpu.memory_space<hbm>>
      tpu.enqueue_dma source(%dma_start3A_105 : memref<16xi32, #tpu.memory_space<hbm>>) target(%arg8 : memref<16xi32, #tpu.memory_space<vmem>>) target_semaphore(%run_scoped3A_100 : memref<!tpu.dma_semaphore, #tpu.memory_space<semaphore_mem>>)
      %dma_wait3A = arith.constant 0 : i32
      %dma_wait3A_106 = tpu.memref_slice %arg4[%add3A_9, %dma_wait3A] : memref<64x16xi32, #tpu.memory_space<hbm>> -> memref<1x16xi32, #tpu.memory_space<hbm>>
      %dma_wait3A_107 = tpu.memref_squeeze %dma_wait3A_106 : memref<1x16xi32, #tpu.memory_space<hbm>> -> memref<16xi32, #tpu.memory_space<hbm>>
      %dma_wait3A_108 = arith.constant 0 : i32
      %dma_wait3A_109 = tpu.memref_slice %arg4[%add3A_9, %dma_wait3A_108] : memref<64x16xi32, #tpu.memory_space<hbm>> -> memref<1x16xi32, #tpu.memory_space<hbm>>
      %dma_wait3A_110 = tpu.memref_squeeze %dma_wait3A_109 : memref<1x16xi32, #tpu.memory_space<hbm>> -> memref<16xi32, #tpu.memory_space<hbm>>
      tpu.wait_dma2 semaphore(%run_scoped3A_100 : memref<!tpu.dma_semaphore, #tpu.memory_space<semaphore_mem>>) src(%dma_wait3A_110 : memref<16xi32, #tpu.memory_space<hbm>>) dst(%arg8 : memref<16xi32, #tpu.memory_space<vmem>>)
      tpu.yield
    }) : () -> ()
    %get3A = arith.constant 0 : index
    %get3A_11 = tpu.vector_load %arg8[%get3A] {strides = array<i32>} : memref<16xi32, #tpu.memory_space<vmem>>, vector<16xi32>,
    %scan3A = arith.constant 0 : i32
    %scan3A_12 = arith.constant 546 : i32
    %scan3A_13 = arith.addi %scan3A, %scan3A_12 : i32
    %scan3A_14 = arith.constant 1 : i32
    %scan3A_15:2 = scf.for %scan3A_100 = %scan3A to %scan3A_13 step %scan3A_14 iter_args(%scan3A_101 = %broadcast_in_dim3A_1, %scan3A_102 = %broadcast_in_dim3A_3) -> (vector<16xi32>, vector<16xf32>)  : i32 {
      %mul3A_103 = arith.constant 16 : i32
      %mul3A_104 = arith.muli %scan3A_100, %mul3A_103 : i32
      %get3A_105 = arith.constant 0 : i32
      %get3A_106 = arith.index_cast %get3A_105 : i32 to index
      %get3A_107 = arith.index_cast %mul3A_104 : i32 to index
      %get3A_108 = tpu.vector_load %arg6[%get3A_106, %get3A_107] {strides = array<i32>} : memref<2x8736xi32, #tpu.memory_space<vmem>>, vector<16xi32>,
      %gt3A = arith.cmpi sgt, %get3A_108, %broadcast_in_dim3A_1 : vector<16xi32>
      %mul3A_109 = arith.constant 16 : i32
      %mul3A_110 = arith.muli %scan3A_100, %mul3A_109 : i32
      %get3A_111 = arith.constant 0 : i32
      %get3A_112 = arith.index_cast %get3A_111 : i32 to index
      %get3A_113 = arith.index_cast %mul3A_110 : i32 to index
      %get3A_114 = tpu.vector_load %arg7[%get3A_112, %get3A_113] {strides = array<i32>} : memref<2x8736xf32, #tpu.memory_space<vmem>>, vector<16xf32>,
      %select_n3A = arith.select %gt3A, %broadcast_in_dim3A_5, %broadcast_in_dim3A_1 : vector<16xi1>, vector<16xi32>
      %add3A_115 = arith.addi %scan3A_101, %select_n3A : vector<16xi32>
      %select_n3A_116 = arith.select %gt3A, %get3A_114, %broadcast_in_dim3A_3 : vector<16xi1>, vector<16xf32>
      %add3A_117 = arith.addf %scan3A_102, %select_n3A_116 : vector<16xf32>
      scf.yield %add3A_115, %add3A_117 : vector<16xi32>, vector<16xf32>
    }
    %scan3A_16 = arith.constant 546 : i32
    %reduce_sum3A = arith.constant true
    %reduce_sum3A_17 = vector.broadcast %reduce_sum3A : i1 to vector<16xi1>
    %reduce_sum3A_18 = tpu.scan <sum>, %scan3A_15#0 masked %reduce_sum3A_17 : vector<16xi32>, vector<16xi1> -> vector<16xi32>
    %reduce_sum3A_19 = vector.extract %reduce_sum3A_18[15] : i32 from vector<16xi32>
    %reduce_sum3A_20 = arith.constant true
    %reduce_sum3A_21 = vector.broadcast %reduce_sum3A_20 : i1 to vector<16xi1>
    %reduce_sum3A_22 = tpu.scan <sum>, %scan3A_15#1 masked %reduce_sum3A_21 : vector<16xf32>, vector<16xi1> -> vector<16xf32>
    %reduce_sum3A_23 = vector.extract %reduce_sum3A_22[15] : f32 from vector<16xf32>
    %reduce_max3A = arith.constant true
    %reduce_max3A_24 = vector.broadcast %reduce_max3A : i1 to vector<16xi1>
    %reduce_max3A_25 = arith.constant -2147483648 : i32
    %reduce_max3A_26 = vector.broadcast %reduce_max3A_25 : i32 to vector<16xi32>
    %reduce_max3A_27 = arith.xori %get3A_11, %reduce_max3A_26 : vector<16xi32>
    %reduce_max3A_28 = tpu.scan <max>, %reduce_max3A_27 masked %reduce_max3A_24 : vector<16xi32>, vector<16xi1> -> vector<16xi32>
    %reduce_max3A_29 = arith.xori %reduce_max3A_28, %reduce_max3A_26 : vector<16xi32>
    %reduce_max3A_30 = vector.extract %reduce_max3A_29[15] : i32 from vector<16xi32>
    %lt3A = arith.cmpi slt, %reduce_sum3A_19, %reduce_max3A_30 : i32
    %convert_element_type3A = arith.extui %lt3A : i1 to i32
    %cond3A = arith.constant 0 : i32
    %cond3A_31 = arith.constant 0 : i32
    %cond3A_32 = arith.cmpi ne, %convert_element_type3A, %cond3A_31 : i32
    %cond3A_33:3 = scf.if %cond3A_32 -> (vector<16xi32>, i32, f32) {
      scf.yield %broadcast_in_dim3A_1, %reduce_sum3A_19, %reduce_sum3A_23 : vector<16xi32>, i32, f32
    } else {
      %broadcast_in_dim3A_100 = arith.constant 1 : i32
      %broadcast_in_dim3A_101 = vector.broadcast %broadcast_in_dim3A_100 : i32 to vector<16xi32>
      %broadcast_in_dim3A_102 = arith.constant 2139095040 : i32
      %broadcast_in_dim3A_103 = vector.broadcast %broadcast_in_dim3A_102 : i32 to vector<16xi32>
      %scan3A_104 = arith.constant 0 : i32
      %scan3A_105 = arith.constant 31 : i32
      %scan3A_106 = arith.addi %scan3A_104, %scan3A_105 : i32
      %scan3A_107 = arith.constant 1 : i32
      %scan3A_108:2 = scf.for %scan3A_124 = %scan3A_104 to %scan3A_106 step %scan3A_107 iter_args(%scan3A_125 = %broadcast_in_dim3A_101, %scan3A_126 = %broadcast_in_dim3A_103) -> (vector<16xi32>, vector<16xi32>)  : i32 {
        %sub3A_127 = arith.subi %scan3A_126, %scan3A_125 : vector<16xi32>
        %shift_right_logical3A = arith.constant 1 : i32
        %shift_right_logical3A_128 = vector.broadcast %shift_right_logical3A : i32 to vector<16xi32>
        %shift_right_logical3A_129 = arith.shrui %sub3A_127, %shift_right_logical3A_128 : vector<16xi32>
        %add3A_130 = arith.addi %scan3A_125, %shift_right_logical3A_129 : vector<16xi32>
        %scan3A_131 = arith.constant 0 : i32
        %scan3A_132 = arith.constant 546 : i32
        %scan3A_133 = arith.addi %scan3A_131, %scan3A_132 : i32
        %scan3A_134 = arith.constant 1 : i32
        %scan3A_135 = scf.for %scan3A_143 = %scan3A_131 to %scan3A_133 step %scan3A_134 iter_args(%scan3A_144 = %broadcast_in_dim3A_1) -> (vector<16xi32>)  : i32 {
          %mul3A_145 = arith.constant 16 : i32
          %mul3A_146 = arith.muli %scan3A_143, %mul3A_145 : i32
          %get3A_147 = arith.constant 0 : i32
          %get3A_148 = arith.index_cast %get3A_147 : i32 to index
          %get3A_149 = arith.index_cast %mul3A_146 : i32 to index
          %get3A_150 = tpu.vector_load %arg6[%get3A_148, %get3A_149] {strides = array<i32>} : memref<2x8736xi32, #tpu.memory_space<vmem>>, vector<16xi32>,
          %ge3A_151 = arith.cmpi sge, %get3A_150, %add3A_130 : vector<16xi32>
          %select_n3A_152 = arith.select %ge3A_151, %broadcast_in_dim3A_5, %broadcast_in_dim3A_1 : vector<16xi1>, vector<16xi32>
          %add3A_153 = arith.addi %scan3A_144, %select_n3A_152 : vector<16xi32>
          scf.yield %add3A_153 : vector<16xi32>
        }
        %scan3A_136 = arith.constant 546 : i32
        %reduce_sum3A_137 = arith.constant true
        %reduce_sum3A_138 = vector.broadcast %reduce_sum3A_137 : i1 to vector<16xi1>
        %reduce_sum3A_139 = tpu.scan <sum>, %scan3A_135 masked %reduce_sum3A_138 : vector<16xi32>, vector<16xi1> -> vector<16xi32>
        %reduce_sum3A_140 = vector.extract %reduce_sum3A_139[15] : i32 from vector<16xi32>
        %broadcast_in_dim3A_141 = vector.broadcast %reduce_sum3A_140 : i32 to vector<16xi32>
        %ge3A = arith.cmpi sge, %broadcast_in_dim3A_141, %get3A_11 : vector<16xi32>
        %select_n3A = arith.select %ge3A, %add3A_130, %scan3A_125 : vector<16xi1>, vector<16xi32>
        %select_n3A_142 = arith.select %ge3A, %scan3A_126, %add3A_130 : vector<16xi1>, vector<16xi32>
        scf.yield %select_n3A, %select_n3A_142 : vector<16xi32>, vector<16xi32>
      }
      %scan3A_109 = arith.constant 31 : i32
      %scan3A_110 = arith.constant 0 : i32
      %scan3A_111 = arith.constant 546 : i32
      %scan3A_112 = arith.addi %scan3A_110, %scan3A_111 : i32
      %scan3A_113 = arith.constant 1 : i32
      %scan3A_114:2 = scf.for %scan3A_124 = %scan3A_110 to %scan3A_112 step %scan3A_113 iter_args(%scan3A_125 = %broadcast_in_dim3A_1, %scan3A_126 = %broadcast_in_dim3A_3) -> (vector<16xi32>, vector<16xf32>)  : i32 {
        %mul3A_127 = arith.constant 16 : i32
        %mul3A_128 = arith.muli %scan3A_124, %mul3A_127 : i32
        %get3A_129 = arith.constant 0 : i32
        %get3A_130 = arith.index_cast %get3A_129 : i32 to index
        %get3A_131 = arith.index_cast %mul3A_128 : i32 to index
        %get3A_132 = tpu.vector_load %arg6[%get3A_130, %get3A_131] {strides = array<i32>} : memref<2x8736xi32, #tpu.memory_space<vmem>>, vector<16xi32>,
        %gt3A = arith.cmpi sgt, %get3A_132, %scan3A_108#0 : vector<16xi32>
        %mul3A_133 = arith.constant 16 : i32
        %mul3A_134 = arith.muli %scan3A_124, %mul3A_133 : i32
        %get3A_135 = arith.constant 0 : i32
        %get3A_136 = arith.index_cast %get3A_135 : i32 to index
        %get3A_137 = arith.index_cast %mul3A_134 : i32 to index
        %get3A_138 = tpu.vector_load %arg7[%get3A_136, %get3A_137] {strides = array<i32>} : memref<2x8736xf32, #tpu.memory_space<vmem>>, vector<16xf32>,
        %select_n3A = arith.select %gt3A, %broadcast_in_dim3A_5, %broadcast_in_dim3A_1 : vector<16xi1>, vector<16xi32>
        %add3A_139 = arith.addi %scan3A_125, %select_n3A : vector<16xi32>
        %select_n3A_140 = arith.select %gt3A, %get3A_138, %broadcast_in_dim3A_3 : vector<16xi1>, vector<16xf32>
        %add3A_141 = arith.addf %scan3A_126, %select_n3A_140 : vector<16xf32>
        scf.yield %add3A_139, %add3A_141 : vector<16xi32>, vector<16xf32>
      }
      %scan3A_115 = arith.constant 546 : i32
      %reduce_sum3A_116 = arith.constant true
      %reduce_sum3A_117 = vector.broadcast %reduce_sum3A_116 : i1 to vector<16xi1>
      %reduce_sum3A_118 = tpu.scan <sum>, %scan3A_114#0 masked %reduce_sum3A_117 : vector<16xi32>, vector<16xi1> -> vector<16xi32>
      %reduce_sum3A_119 = vector.extract %reduce_sum3A_118[15] : i32 from vector<16xi32>
      %reduce_sum3A_120 = arith.constant true
      %reduce_sum3A_121 = vector.broadcast %reduce_sum3A_120 : i1 to vector<16xi1>
      %reduce_sum3A_122 = tpu.scan <sum>, %scan3A_114#1 masked %reduce_sum3A_121 : vector<16xf32>, vector<16xi1> -> vector<16xf32>
      %reduce_sum3A_123 = vector.extract %reduce_sum3A_122[15] : f32 from vector<16xf32>
      scf.yield %scan3A_108#0, %reduce_sum3A_119, %reduce_sum3A_123 : vector<16xi32>, i32, f32
    }
    %broadcast_in_dim3A_34 = vector.broadcast %cond3A_33#1 : i32 to vector<16xi32>
    %sub3A = arith.subi %get3A_11, %broadcast_in_dim3A_34 : vector<16xi32>
    %scan3A_35 = arith.constant 0 : i32
    %scan3A_36 = arith.constant 546 : i32
    %scan3A_37 = arith.addi %scan3A_35, %scan3A_36 : i32
    %scan3A_38 = arith.constant 1 : i32
    %scan3A_39:2 = scf.for %scan3A_100 = %scan3A_35 to %scan3A_37 step %scan3A_38 iter_args(%scan3A_101 = %broadcast_in_dim3A_1, %scan3A_102 = %broadcast_in_dim3A_3) -> (vector<16xi32>, vector<16xf32>)  : i32 {
      %mul3A_103 = arith.constant 16 : i32
      %mul3A_104 = arith.muli %scan3A_100, %mul3A_103 : i32
      %get3A_105 = arith.constant 0 : i32
      %get3A_106 = arith.index_cast %get3A_105 : i32 to index
      %get3A_107 = arith.index_cast %mul3A_104 : i32 to index
      %get3A_108 = tpu.vector_load %arg6[%get3A_106, %get3A_107] {strides = array<i32>} : memref<2x8736xi32, #tpu.memory_space<vmem>>, vector<16xi32>,
      %eq3A = arith.cmpi eq, %get3A_108, %cond3A_33#0 : vector<16xi32>
      %select_n3A = arith.select %eq3A, %broadcast_in_dim3A_5, %broadcast_in_dim3A_1 : vector<16xi1>, vector<16xi32>
      %broadcast_in_dim3A_109 = arith.constant true
      %broadcast_in_dim3A_110 = vector.broadcast %broadcast_in_dim3A_109 : i1 to vector<16xi1>
      %masked_cumsum3A = tpu.scan <sum>, %select_n3A masked %broadcast_in_dim3A_110 : vector<16xi32>, vector<16xi1> -> vector<16xi32>
      %add3A_111 = arith.addi %masked_cumsum3A, %scan3A_101 : vector<16xi32>
      %le3A = arith.cmpi sle, %add3A_111, %sub3A : vector<16xi32>
      %and3A = arith.andi %eq3A, %le3A : vector<16xi1>
      %mul3A_112 = arith.constant 16 : i32
      %mul3A_113 = arith.muli %scan3A_100, %mul3A_112 : i32
      %get3A_114 = arith.constant 0 : i32
      %get3A_115 = arith.index_cast %get3A_114 : i32 to index
      %get3A_116 = arith.index_cast %mul3A_113 : i32 to index
      %get3A_117 = tpu.vector_load %arg7[%get3A_115, %get3A_116] {strides = array<i32>} : memref<2x8736xf32, #tpu.memory_space<vmem>>, vector<16xf32>,
      %select_n3A_118 = arith.select %and3A, %get3A_117, %broadcast_in_dim3A_3 : vector<16xi1>, vector<16xf32>
      %add3A_119 = arith.addf %scan3A_102, %select_n3A_118 : vector<16xf32>
      %all_reduce_population_count3A = tpu.all_reduce %eq3A {dim = 0 : i64, kind = #tpu.reduction_kind<sum>} : vector<16xi1> -> vector<16xi32>
      %add3A_120 = arith.addi %scan3A_101, %all_reduce_population_count3A : vector<16xi32>
      scf.yield %add3A_120, %add3A_119 : vector<16xi32>, vector<16xf32>
    }
    %scan3A_40 = arith.constant 546 : i32
    %reduce_sum3A_41 = arith.constant true
    %reduce_sum3A_42 = vector.broadcast %reduce_sum3A_41 : i1 to vector<16xi1>
    %reduce_sum3A_43 = tpu.scan <sum>, %scan3A_39#1 masked %reduce_sum3A_42 : vector<16xf32>, vector<16xi1> -> vector<16xf32>
    %reduce_sum3A_44 = vector.extract %reduce_sum3A_43[15] : f32 from vector<16xf32>
    %add3A_45 = arith.addf %cond3A_33#2, %reduce_sum3A_44 : f32
    %broadcast_in_dim3A_46 = vector.broadcast %add3A_45 : f32 to vector<16xf32>
    %swap3A = arith.constant 0 : index
    %swap3A_47 = tpu.vector_load %arg9[%swap3A] {strides = array<i32>} : memref<16xf32, #tpu.memory_space<vmem>>, vector<16xf32>,
    tpu.vector_store %arg9[%swap3A], %broadcast_in_dim3A_46 {strides = array<i32>} : memref<16xf32, #tpu.memory_space<vmem>>, vector<16xf32>,
    "tpu.region"() ({
      %run_scoped3A_100 = tpu.sem_alloc : memref<!tpu.dma_semaphore, #tpu.memory_space<semaphore_mem>>
      %dma_start3A = arith.constant 0 : i32
      %dma_start3A_101 = tpu.memref_slice %arg5[%add3A_9, %dma_start3A] : memref<64x16xf32, #tpu.memory_space<hbm>> -> memref<1x16xf32, #tpu.memory_space<hbm>>
      %dma_start3A_102 = tpu.memref_squeeze %dma_start3A_101 : memref<1x16xf32, #tpu.memory_space<hbm>> -> memref<16xf32, #tpu.memory_space<hbm>>
      %dma_start3A_103 = arith.constant 0 : i32
      %dma_start3A_104 = tpu.memref_slice %arg5[%add3A_9, %dma_start3A_103] : memref<64x16xf32, #tpu.memory_space<hbm>> -> memref<1x16xf32, #tpu.memory_space<hbm>>
      %dma_start3A_105 = tpu.memref_squeeze %dma_start3A_104 : memref<1x16xf32, #tpu.memory_space<hbm>> -> memref<16xf32, #tpu.memory_space<hbm>>
      tpu.enqueue_dma source(%arg9 : memref<16xf32, #tpu.memory_space<vmem>>) target(%dma_start3A_105 : memref<16xf32, #tpu.memory_space<hbm>>) target_semaphore(%run_scoped3A_100 : memref<!tpu.dma_semaphore, #tpu.memory_space<semaphore_mem>>)
      %dma_wait3A = arith.constant 0 : i32
      %dma_wait3A_106 = tpu.memref_slice %arg5[%add3A_9, %dma_wait3A] : memref<64x16xf32, #tpu.memory_space<hbm>> -> memref<1x16xf32, #tpu.memory_space<hbm>>
      %dma_wait3A_107 = tpu.memref_squeeze %dma_wait3A_106 : memref<1x16xf32, #tpu.memory_space<hbm>> -> memref<16xf32, #tpu.memory_space<hbm>>
      %dma_wait3A_108 = arith.constant 0 : i32
      %dma_wait3A_109 = tpu.memref_slice %arg5[%add3A_9, %dma_wait3A_108] : memref<64x16xf32, #tpu.memory_space<hbm>> -> memref<1x16xf32, #tpu.memory_space<hbm>>
      %dma_wait3A_110 = tpu.memref_squeeze %dma_wait3A_109 : memref<1x16xf32, #tpu.memory_space<hbm>> -> memref<16xf32, #tpu.memory_space<hbm>>
      tpu.wait_dma2 semaphore(%run_scoped3A_100 : memref<!tpu.dma_semaphore, #tpu.memory_space<semaphore_mem>>) src(%arg9 : memref<16xf32, #tpu.memory_space<vmem>>) dst(%dma_wait3A_110 : memref<16xf32, #tpu.memory_space<hbm>>)
      tpu.yield
    }) : () -> ()
    %mul3A_48 = arith.constant 2 : i32
    %mul3A_49 = arith.muli %add3A, %mul3A_48 : i32
    %add3A_50 = arith.constant 1 : i32
    %add3A_51 = arith.addi %mul3A_49, %add3A_50 : i32
    %run_scoped3A_52 = arith.constant 1 : i32
    "tpu.region"() ({
      %run_scoped3A_100 = tpu.sem_alloc : memref<!tpu.dma_semaphore, #tpu.memory_space<semaphore_mem>>
      %dma_start3A = arith.constant 0 : i32
      %dma_start3A_101 = tpu.memref_slice %arg6[%run_scoped3A_52, %dma_start3A] : memref<2x8736xi32, #tpu.memory_space<vmem>> -> memref<1x8736xi32, #tpu.memory_space<vmem>>
      %dma_start3A_102 = tpu.memref_squeeze %dma_start3A_101 : memref<1x8736xi32, #tpu.memory_space<vmem>> -> memref<8736xi32, #tpu.memory_space<vmem>>
      %dma_start3A_103 = arith.constant 0 : i32
      %dma_start3A_104 = tpu.memref_slice %arg2[%add3A_51, %dma_start3A_103] : memref<64x8736xi32, #tpu.memory_space<hbm>> -> memref<1x8736xi32, #tpu.memory_space<hbm>>
      %dma_start3A_105 = tpu.memref_squeeze %dma_start3A_104 : memref<1x8736xi32, #tpu.memory_space<hbm>> -> memref<8736xi32, #tpu.memory_space<hbm>>
      %dma_start3A_106 = arith.constant 0 : i32
      %dma_start3A_107 = tpu.memref_slice %arg6[%run_scoped3A_52, %dma_start3A_106] : memref<2x8736xi32, #tpu.memory_space<vmem>> -> memref<1x8736xi32, #tpu.memory_space<vmem>>
      %dma_start3A_108 = tpu.memref_squeeze %dma_start3A_107 : memref<1x8736xi32, #tpu.memory_space<vmem>> -> memref<8736xi32, #tpu.memory_space<vmem>>
      %dma_start3A_109 = arith.constant 0 : i32
      %dma_start3A_110 = tpu.memref_slice %arg2[%add3A_51, %dma_start3A_109] : memref<64x8736xi32, #tpu.memory_space<hbm>> -> memref<1x8736xi32, #tpu.memory_space<hbm>>
      %dma_start3A_111 = tpu.memref_squeeze %dma_start3A_110 : memref<1x8736xi32, #tpu.memory_space<hbm>> -> memref<8736xi32, #tpu.memory_space<hbm>>
      tpu.enqueue_dma source(%dma_start3A_111 : memref<8736xi32, #tpu.memory_space<hbm>>) target(%dma_start3A_108 : memref<8736xi32, #tpu.memory_space<vmem>>) target_semaphore(%run_scoped3A_100 : memref<!tpu.dma_semaphore, #tpu.memory_space<semaphore_mem>>)
      %dma_wait3A = arith.constant 0 : i32
      %dma_wait3A_112 = tpu.memref_slice %arg6[%run_scoped3A_52, %dma_wait3A] : memref<2x8736xi32, #tpu.memory_space<vmem>> -> memref<1x8736xi32, #tpu.memory_space<vmem>>
      %dma_wait3A_113 = tpu.memref_squeeze %dma_wait3A_112 : memref<1x8736xi32, #tpu.memory_space<vmem>> -> memref<8736xi32, #tpu.memory_space<vmem>>
      %dma_wait3A_114 = arith.constant 0 : i32
      %dma_wait3A_115 = tpu.memref_slice %arg2[%add3A_51, %dma_wait3A_114] : memref<64x8736xi32, #tpu.memory_space<hbm>> -> memref<1x8736xi32, #tpu.memory_space<hbm>>
      %dma_wait3A_116 = tpu.memref_squeeze %dma_wait3A_115 : memref<1x8736xi32, #tpu.memory_space<hbm>> -> memref<8736xi32, #tpu.memory_space<hbm>>
      %dma_wait3A_117 = arith.constant 0 : i32
      %dma_wait3A_118 = tpu.memref_slice %arg6[%run_scoped3A_52, %dma_wait3A_117] : memref<2x8736xi32, #tpu.memory_space<vmem>> -> memref<1x8736xi32, #tpu.memory_space<vmem>>
      %dma_wait3A_119 = tpu.memref_squeeze %dma_wait3A_118 : memref<1x8736xi32, #tpu.memory_space<vmem>> -> memref<8736xi32, #tpu.memory_space<vmem>>
      %dma_wait3A_120 = arith.constant 0 : i32
      %dma_wait3A_121 = tpu.memref_slice %arg2[%add3A_51, %dma_wait3A_120] : memref<64x8736xi32, #tpu.memory_space<hbm>> -> memref<1x8736xi32, #tpu.memory_space<hbm>>
      %dma_wait3A_122 = tpu.memref_squeeze %dma_wait3A_121 : memref<1x8736xi32, #tpu.memory_space<hbm>> -> memref<8736xi32, #tpu.memory_space<hbm>>
      tpu.wait_dma2 semaphore(%run_scoped3A_100 : memref<!tpu.dma_semaphore, #tpu.memory_space<semaphore_mem>>) src(%dma_wait3A_122 : memref<8736xi32, #tpu.memory_space<hbm>>) dst(%dma_wait3A_119 : memref<8736xi32, #tpu.memory_space<vmem>>)
      tpu.yield
    }) : () -> ()
    %run_scoped3A_53 = arith.constant 1 : i32
    "tpu.region"() ({
      %run_scoped3A_100 = tpu.sem_alloc : memref<!tpu.dma_semaphore, #tpu.memory_space<semaphore_mem>>
      %dma_start3A = arith.constant 0 : i32
      %dma_start3A_101 = tpu.memref_slice %arg7[%run_scoped3A_53, %dma_start3A] : memref<2x8736xf32, #tpu.memory_space<vmem>> -> memref<1x8736xf32, #tpu.memory_space<vmem>>
      %dma_start3A_102 = tpu.memref_squeeze %dma_start3A_101 : memref<1x8736xf32, #tpu.memory_space<vmem>> -> memref<8736xf32, #tpu.memory_space<vmem>>
      %dma_start3A_103 = arith.constant 0 : i32
      %dma_start3A_104 = tpu.memref_slice %arg3[%add3A_51, %dma_start3A_103] : memref<64x8736xf32, #tpu.memory_space<hbm>> -> memref<1x8736xf32, #tpu.memory_space<hbm>>
      %dma_start3A_105 = tpu.memref_squeeze %dma_start3A_104 : memref<1x8736xf32, #tpu.memory_space<hbm>> -> memref<8736xf32, #tpu.memory_space<hbm>>
      %dma_start3A_106 = arith.constant 0 : i32
      %dma_start3A_107 = tpu.memref_slice %arg7[%run_scoped3A_53, %dma_start3A_106] : memref<2x8736xf32, #tpu.memory_space<vmem>> -> memref<1x8736xf32, #tpu.memory_space<vmem>>
      %dma_start3A_108 = tpu.memref_squeeze %dma_start3A_107 : memref<1x8736xf32, #tpu.memory_space<vmem>> -> memref<8736xf32, #tpu.memory_space<vmem>>
      %dma_start3A_109 = arith.constant 0 : i32
      %dma_start3A_110 = tpu.memref_slice %arg3[%add3A_51, %dma_start3A_109] : memref<64x8736xf32, #tpu.memory_space<hbm>> -> memref<1x8736xf32, #tpu.memory_space<hbm>>
      %dma_start3A_111 = tpu.memref_squeeze %dma_start3A_110 : memref<1x8736xf32, #tpu.memory_space<hbm>> -> memref<8736xf32, #tpu.memory_space<hbm>>
      tpu.enqueue_dma source(%dma_start3A_111 : memref<8736xf32, #tpu.memory_space<hbm>>) target(%dma_start3A_108 : memref<8736xf32, #tpu.memory_space<vmem>>) target_semaphore(%run_scoped3A_100 : memref<!tpu.dma_semaphore, #tpu.memory_space<semaphore_mem>>)
      %dma_wait3A = arith.constant 0 : i32
      %dma_wait3A_112 = tpu.memref_slice %arg7[%run_scoped3A_53, %dma_wait3A] : memref<2x8736xf32, #tpu.memory_space<vmem>> -> memref<1x8736xf32, #tpu.memory_space<vmem>>
      %dma_wait3A_113 = tpu.memref_squeeze %dma_wait3A_112 : memref<1x8736xf32, #tpu.memory_space<vmem>> -> memref<8736xf32, #tpu.memory_space<vmem>>
      %dma_wait3A_114 = arith.constant 0 : i32
      %dma_wait3A_115 = tpu.memref_slice %arg3[%add3A_51, %dma_wait3A_114] : memref<64x8736xf32, #tpu.memory_space<hbm>> -> memref<1x8736xf32, #tpu.memory_space<hbm>>
      %dma_wait3A_116 = tpu.memref_squeeze %dma_wait3A_115 : memref<1x8736xf32, #tpu.memory_space<hbm>> -> memref<8736xf32, #tpu.memory_space<hbm>>
      %dma_wait3A_117 = arith.constant 0 : i32
      %dma_wait3A_118 = tpu.memref_slice %arg7[%run_scoped3A_53, %dma_wait3A_117] : memref<2x8736xf32, #tpu.memory_space<vmem>> -> memref<1x8736xf32, #tpu.memory_space<vmem>>
      %dma_wait3A_119 = tpu.memref_squeeze %dma_wait3A_118 : memref<1x8736xf32, #tpu.memory_space<vmem>> -> memref<8736xf32, #tpu.memory_space<vmem>>
      %dma_wait3A_120 = arith.constant 0 : i32
      %dma_wait3A_121 = tpu.memref_slice %arg3[%add3A_51, %dma_wait3A_120] : memref<64x8736xf32, #tpu.memory_space<hbm>> -> memref<1x8736xf32, #tpu.memory_space<hbm>>
      %dma_wait3A_122 = tpu.memref_squeeze %dma_wait3A_121 : memref<1x8736xf32, #tpu.memory_space<hbm>> -> memref<8736xf32, #tpu.memory_space<hbm>>
      tpu.wait_dma2 semaphore(%run_scoped3A_100 : memref<!tpu.dma_semaphore, #tpu.memory_space<semaphore_mem>>) src(%dma_wait3A_122 : memref<8736xf32, #tpu.memory_space<hbm>>) dst(%dma_wait3A_119 : memref<8736xf32, #tpu.memory_space<vmem>>)
      tpu.yield
    }) : () -> ()
    "tpu.region"() ({
      %run_scoped3A_100 = tpu.sem_alloc : memref<!tpu.dma_semaphore, #tpu.memory_space<semaphore_mem>>
      %dma_start3A = arith.constant 0 : i32
      %dma_start3A_101 = tpu.memref_slice %arg4[%add3A_51, %dma_start3A] : memref<64x16xi32, #tpu.memory_space<hbm>> -> memref<1x16xi32, #tpu.memory_space<hbm>>
      %dma_start3A_102 = tpu.memref_squeeze %dma_start3A_101 : memref<1x16xi32, #tpu.memory_space<hbm>> -> memref<16xi32, #tpu.memory_space<hbm>>
      %dma_start3A_103 = arith.constant 0 : i32
      %dma_start3A_104 = tpu.memref_slice %arg4[%add3A_51, %dma_start3A_103] : memref<64x16xi32, #tpu.memory_space<hbm>> -> memref<1x16xi32, #tpu.memory_space<hbm>>
      %dma_start3A_105 = tpu.memref_squeeze %dma_start3A_104 : memref<1x16xi32, #tpu.memory_space<hbm>> -> memref<16xi32, #tpu.memory_space<hbm>>
      tpu.enqueue_dma source(%dma_start3A_105 : memref<16xi32, #tpu.memory_space<hbm>>) target(%arg8 : memref<16xi32, #tpu.memory_space<vmem>>) target_semaphore(%run_scoped3A_100 : memref<!tpu.dma_semaphore, #tpu.memory_space<semaphore_mem>>)
      %dma_wait3A = arith.constant 0 : i32
      %dma_wait3A_106 = tpu.memref_slice %arg4[%add3A_51, %dma_wait3A] : memref<64x16xi32, #tpu.memory_space<hbm>> -> memref<1x16xi32, #tpu.memory_space<hbm>>
      %dma_wait3A_107 = tpu.memref_squeeze %dma_wait3A_106 : memref<1x16xi32, #tpu.memory_space<hbm>> -> memref<16xi32, #tpu.memory_space<hbm>>
      %dma_wait3A_108 = arith.constant 0 : i32
      %dma_wait3A_109 = tpu.memref_slice %arg4[%add3A_51, %dma_wait3A_108] : memref<64x16xi32, #tpu.memory_space<hbm>> -> memref<1x16xi32, #tpu.memory_space<hbm>>
      %dma_wait3A_110 = tpu.memref_squeeze %dma_wait3A_109 : memref<1x16xi32, #tpu.memory_space<hbm>> -> memref<16xi32, #tpu.memory_space<hbm>>
      tpu.wait_dma2 semaphore(%run_scoped3A_100 : memref<!tpu.dma_semaphore, #tpu.memory_space<semaphore_mem>>) src(%dma_wait3A_110 : memref<16xi32, #tpu.memory_space<hbm>>) dst(%arg8 : memref<16xi32, #tpu.memory_space<vmem>>)
      tpu.yield
    }) : () -> ()
    %get3A_54 = arith.constant 0 : index
    %get3A_55 = tpu.vector_load %arg8[%get3A_54] {strides = array<i32>} : memref<16xi32, #tpu.memory_space<vmem>>, vector<16xi32>,
    %scan3A_56 = arith.constant 0 : i32
    %scan3A_57 = arith.constant 546 : i32
    %scan3A_58 = arith.addi %scan3A_56, %scan3A_57 : i32
    %scan3A_59 = arith.constant 1 : i32
    %scan3A_60:2 = scf.for %scan3A_100 = %scan3A_56 to %scan3A_58 step %scan3A_59 iter_args(%scan3A_101 = %broadcast_in_dim3A_1, %scan3A_102 = %broadcast_in_dim3A_3) -> (vector<16xi32>, vector<16xf32>)  : i32 {
      %mul3A_103 = arith.constant 16 : i32
      %mul3A_104 = arith.muli %scan3A_100, %mul3A_103 : i32
      %get3A_105 = arith.constant 1 : i32
      %get3A_106 = arith.index_cast %get3A_105 : i32 to index
      %get3A_107 = arith.index_cast %mul3A_104 : i32 to index
      %get3A_108 = tpu.vector_load %arg6[%get3A_106, %get3A_107] {strides = array<i32>} : memref<2x8736xi32, #tpu.memory_space<vmem>>, vector<16xi32>,
      %gt3A = arith.cmpi sgt, %get3A_108, %broadcast_in_dim3A_1 : vector<16xi32>
      %mul3A_109 = arith.constant 16 : i32
      %mul3A_110 = arith.muli %scan3A_100, %mul3A_109 : i32
      %get3A_111 = arith.constant 1 : i32
      %get3A_112 = arith.index_cast %get3A_111 : i32 to index
      %get3A_113 = arith.index_cast %mul3A_110 : i32 to index
      %get3A_114 = tpu.vector_load %arg7[%get3A_112, %get3A_113] {strides = array<i32>} : memref<2x8736xf32, #tpu.memory_space<vmem>>, vector<16xf32>,
      %select_n3A = arith.select %gt3A, %broadcast_in_dim3A_5, %broadcast_in_dim3A_1 : vector<16xi1>, vector<16xi32>
      %add3A_115 = arith.addi %scan3A_101, %select_n3A : vector<16xi32>
      %select_n3A_116 = arith.select %gt3A, %get3A_114, %broadcast_in_dim3A_3 : vector<16xi1>, vector<16xf32>
      %add3A_117 = arith.addf %scan3A_102, %select_n3A_116 : vector<16xf32>
      scf.yield %add3A_115, %add3A_117 : vector<16xi32>, vector<16xf32>
    }
    %scan3A_61 = arith.constant 546 : i32
    %reduce_sum3A_62 = arith.constant true
    %reduce_sum3A_63 = vector.broadcast %reduce_sum3A_62 : i1 to vector<16xi1>
    %reduce_sum3A_64 = tpu.scan <sum>, %scan3A_60#0 masked %reduce_sum3A_63 : vector<16xi32>, vector<16xi1> -> vector<16xi32>
    %reduce_sum3A_65 = vector.extract %reduce_sum3A_64[15] : i32 from vector<16xi32>
    %reduce_sum3A_66 = arith.constant true
    %reduce_sum3A_67 = vector.broadcast %reduce_sum3A_66 : i1 to vector<16xi1>
    %reduce_sum3A_68 = tpu.scan <sum>, %scan3A_60#1 masked %reduce_sum3A_67 : vector<16xf32>, vector<16xi1> -> vector<16xf32>
    %reduce_sum3A_69 = vector.extract %reduce_sum3A_68[15] : f32 from vector<16xf32>
    %reduce_max3A_70 = arith.constant true
    %reduce_max3A_71 = vector.broadcast %reduce_max3A_70 : i1 to vector<16xi1>
    %reduce_max3A_72 = arith.constant -2147483648 : i32
    %reduce_max3A_73 = vector.broadcast %reduce_max3A_72 : i32 to vector<16xi32>
    %reduce_max3A_74 = arith.xori %get3A_55, %reduce_max3A_73 : vector<16xi32>
    %reduce_max3A_75 = tpu.scan <max>, %reduce_max3A_74 masked %reduce_max3A_71 : vector<16xi32>, vector<16xi1> -> vector<16xi32>
    %reduce_max3A_76 = arith.xori %reduce_max3A_75, %reduce_max3A_73 : vector<16xi32>
    %reduce_max3A_77 = vector.extract %reduce_max3A_76[15] : i32 from vector<16xi32>
    %lt3A_78 = arith.cmpi slt, %reduce_sum3A_65, %reduce_max3A_77 : i32
    %convert_element_type3A_79 = arith.extui %lt3A_78 : i1 to i32
    %cond3A_80 = arith.constant 0 : i32
    %cond3A_81 = arith.constant 0 : i32
    %cond3A_82 = arith.cmpi ne, %convert_element_type3A_79, %cond3A_81 : i32
    %cond3A_83:3 = scf.if %cond3A_82 -> (vector<16xi32>, i32, f32) {
      scf.yield %broadcast_in_dim3A_1, %reduce_sum3A_65, %reduce_sum3A_69 : vector<16xi32>, i32, f32
    } else {
      %broadcast_in_dim3A_100 = arith.constant 1 : i32
      %broadcast_in_dim3A_101 = vector.broadcast %broadcast_in_dim3A_100 : i32 to vector<16xi32>
      %broadcast_in_dim3A_102 = arith.constant 2139095040 : i32
      %broadcast_in_dim3A_103 = vector.broadcast %broadcast_in_dim3A_102 : i32 to vector<16xi32>
      %scan3A_104 = arith.constant 0 : i32
      %scan3A_105 = arith.constant 31 : i32
      %scan3A_106 = arith.addi %scan3A_104, %scan3A_105 : i32
      %scan3A_107 = arith.constant 1 : i32
      %scan3A_108:2 = scf.for %scan3A_124 = %scan3A_104 to %scan3A_106 step %scan3A_107 iter_args(%scan3A_125 = %broadcast_in_dim3A_101, %scan3A_126 = %broadcast_in_dim3A_103) -> (vector<16xi32>, vector<16xi32>)  : i32 {
        %sub3A_127 = arith.subi %scan3A_126, %scan3A_125 : vector<16xi32>
        %shift_right_logical3A = arith.constant 1 : i32
        %shift_right_logical3A_128 = vector.broadcast %shift_right_logical3A : i32 to vector<16xi32>
        %shift_right_logical3A_129 = arith.shrui %sub3A_127, %shift_right_logical3A_128 : vector<16xi32>
        %add3A_130 = arith.addi %scan3A_125, %shift_right_logical3A_129 : vector<16xi32>
        %scan3A_131 = arith.constant 0 : i32
        %scan3A_132 = arith.constant 546 : i32
        %scan3A_133 = arith.addi %scan3A_131, %scan3A_132 : i32
        %scan3A_134 = arith.constant 1 : i32
        %scan3A_135 = scf.for %scan3A_143 = %scan3A_131 to %scan3A_133 step %scan3A_134 iter_args(%scan3A_144 = %broadcast_in_dim3A_1) -> (vector<16xi32>)  : i32 {
          %mul3A_145 = arith.constant 16 : i32
          %mul3A_146 = arith.muli %scan3A_143, %mul3A_145 : i32
          %get3A_147 = arith.constant 1 : i32
          %get3A_148 = arith.index_cast %get3A_147 : i32 to index
          %get3A_149 = arith.index_cast %mul3A_146 : i32 to index
          %get3A_150 = tpu.vector_load %arg6[%get3A_148, %get3A_149] {strides = array<i32>} : memref<2x8736xi32, #tpu.memory_space<vmem>>, vector<16xi32>,
          %ge3A_151 = arith.cmpi sge, %get3A_150, %add3A_130 : vector<16xi32>
          %select_n3A_152 = arith.select %ge3A_151, %broadcast_in_dim3A_5, %broadcast_in_dim3A_1 : vector<16xi1>, vector<16xi32>
          %add3A_153 = arith.addi %scan3A_144, %select_n3A_152 : vector<16xi32>
          scf.yield %add3A_153 : vector<16xi32>
        }
        %scan3A_136 = arith.constant 546 : i32
        %reduce_sum3A_137 = arith.constant true
        %reduce_sum3A_138 = vector.broadcast %reduce_sum3A_137 : i1 to vector<16xi1>
        %reduce_sum3A_139 = tpu.scan <sum>, %scan3A_135 masked %reduce_sum3A_138 : vector<16xi32>, vector<16xi1> -> vector<16xi32>
        %reduce_sum3A_140 = vector.extract %reduce_sum3A_139[15] : i32 from vector<16xi32>
        %broadcast_in_dim3A_141 = vector.broadcast %reduce_sum3A_140 : i32 to vector<16xi32>
        %ge3A = arith.cmpi sge, %broadcast_in_dim3A_141, %get3A_55 : vector<16xi32>
        %select_n3A = arith.select %ge3A, %add3A_130, %scan3A_125 : vector<16xi1>, vector<16xi32>
        %select_n3A_142 = arith.select %ge3A, %scan3A_126, %add3A_130 : vector<16xi1>, vector<16xi32>
        scf.yield %select_n3A, %select_n3A_142 : vector<16xi32>, vector<16xi32>
      }
      %scan3A_109 = arith.constant 31 : i32
      %scan3A_110 = arith.constant 0 : i32
      %scan3A_111 = arith.constant 546 : i32
      %scan3A_112 = arith.addi %scan3A_110, %scan3A_111 : i32
      %scan3A_113 = arith.constant 1 : i32
      %scan3A_114:2 = scf.for %scan3A_124 = %scan3A_110 to %scan3A_112 step %scan3A_113 iter_args(%scan3A_125 = %broadcast_in_dim3A_1, %scan3A_126 = %broadcast_in_dim3A_3) -> (vector<16xi32>, vector<16xf32>)  : i32 {
        %mul3A_127 = arith.constant 16 : i32
        %mul3A_128 = arith.muli %scan3A_124, %mul3A_127 : i32
        %get3A_129 = arith.constant 1 : i32
        %get3A_130 = arith.index_cast %get3A_129 : i32 to index
        %get3A_131 = arith.index_cast %mul3A_128 : i32 to index
        %get3A_132 = tpu.vector_load %arg6[%get3A_130, %get3A_131] {strides = array<i32>} : memref<2x8736xi32, #tpu.memory_space<vmem>>, vector<16xi32>,
        %gt3A = arith.cmpi sgt, %get3A_132, %scan3A_108#0 : vector<16xi32>
        %mul3A_133 = arith.constant 16 : i32
        %mul3A_134 = arith.muli %scan3A_124, %mul3A_133 : i32
        %get3A_135 = arith.constant 1 : i32
        %get3A_136 = arith.index_cast %get3A_135 : i32 to index
        %get3A_137 = arith.index_cast %mul3A_134 : i32 to index
        %get3A_138 = tpu.vector_load %arg7[%get3A_136, %get3A_137] {strides = array<i32>} : memref<2x8736xf32, #tpu.memory_space<vmem>>, vector<16xf32>,
        %select_n3A = arith.select %gt3A, %broadcast_in_dim3A_5, %broadcast_in_dim3A_1 : vector<16xi1>, vector<16xi32>
        %add3A_139 = arith.addi %scan3A_125, %select_n3A : vector<16xi32>
        %select_n3A_140 = arith.select %gt3A, %get3A_138, %broadcast_in_dim3A_3 : vector<16xi1>, vector<16xf32>
        %add3A_141 = arith.addf %scan3A_126, %select_n3A_140 : vector<16xf32>
        scf.yield %add3A_139, %add3A_141 : vector<16xi32>, vector<16xf32>
      }
      %scan3A_115 = arith.constant 546 : i32
      %reduce_sum3A_116 = arith.constant true
      %reduce_sum3A_117 = vector.broadcast %reduce_sum3A_116 : i1 to vector<16xi1>
      %reduce_sum3A_118 = tpu.scan <sum>, %scan3A_114#0 masked %reduce_sum3A_117 : vector<16xi32>, vector<16xi1> -> vector<16xi32>
      %reduce_sum3A_119 = vector.extract %reduce_sum3A_118[15] : i32 from vector<16xi32>
      %reduce_sum3A_120 = arith.constant true
      %reduce_sum3A_121 = vector.broadcast %reduce_sum3A_120 : i1 to vector<16xi1>
      %reduce_sum3A_122 = tpu.scan <sum>, %scan3A_114#1 masked %reduce_sum3A_121 : vector<16xf32>, vector<16xi1> -> vector<16xf32>
      %reduce_sum3A_123 = vector.extract %reduce_sum3A_122[15] : f32 from vector<16xf32>
      scf.yield %scan3A_108#0, %reduce_sum3A_119, %reduce_sum3A_123 : vector<16xi32>, i32, f32
    }
    %broadcast_in_dim3A_84 = vector.broadcast %cond3A_83#1 : i32 to vector<16xi32>
    %sub3A_85 = arith.subi %get3A_55, %broadcast_in_dim3A_84 : vector<16xi32>
    %scan3A_86 = arith.constant 0 : i32
    %scan3A_87 = arith.constant 546 : i32
    %scan3A_88 = arith.addi %scan3A_86, %scan3A_87 : i32
    %scan3A_89 = arith.constant 1 : i32
    %scan3A_90:2 = scf.for %scan3A_100 = %scan3A_86 to %scan3A_88 step %scan3A_89 iter_args(%scan3A_101 = %broadcast_in_dim3A_1, %scan3A_102 = %broadcast_in_dim3A_3) -> (vector<16xi32>, vector<16xf32>)  : i32 {
      %mul3A_103 = arith.constant 16 : i32
      %mul3A_104 = arith.muli %scan3A_100, %mul3A_103 : i32
      %get3A_105 = arith.constant 1 : i32
      %get3A_106 = arith.index_cast %get3A_105 : i32 to index
      %get3A_107 = arith.index_cast %mul3A_104 : i32 to index
      %get3A_108 = tpu.vector_load %arg6[%get3A_106, %get3A_107] {strides = array<i32>} : memref<2x8736xi32, #tpu.memory_space<vmem>>, vector<16xi32>,
      %eq3A = arith.cmpi eq, %get3A_108, %cond3A_83#0 : vector<16xi32>
      %select_n3A = arith.select %eq3A, %broadcast_in_dim3A_5, %broadcast_in_dim3A_1 : vector<16xi1>, vector<16xi32>
      %broadcast_in_dim3A_109 = arith.constant true
      %broadcast_in_dim3A_110 = vector.broadcast %broadcast_in_dim3A_109 : i1 to vector<16xi1>
      %masked_cumsum3A = tpu.scan <sum>, %select_n3A masked %broadcast_in_dim3A_110 : vector<16xi32>, vector<16xi1> -> vector<16xi32>
      %add3A_111 = arith.addi %masked_cumsum3A, %scan3A_101 : vector<16xi32>
      %le3A = arith.cmpi sle, %add3A_111, %sub3A_85 : vector<16xi32>
      %and3A = arith.andi %eq3A, %le3A : vector<16xi1>
      %mul3A_112 = arith.constant 16 : i32
      %mul3A_113 = arith.muli %scan3A_100, %mul3A_112 : i32
      %get3A_114 = arith.constant 1 : i32
      %get3A_115 = arith.index_cast %get3A_114 : i32 to index
      %get3A_116 = arith.index_cast %mul3A_113 : i32 to index
      %get3A_117 = tpu.vector_load %arg7[%get3A_115, %get3A_116] {strides = array<i32>} : memref<2x8736xf32, #tpu.memory_space<vmem>>, vector<16xf32>,
      %select_n3A_118 = arith.select %and3A, %get3A_117, %broadcast_in_dim3A_3 : vector<16xi1>, vector<16xf32>
      %add3A_119 = arith.addf %scan3A_102, %select_n3A_118 : vector<16xf32>
      %all_reduce_population_count3A = tpu.all_reduce %eq3A {dim = 0 : i64, kind = #tpu.reduction_kind<sum>} : vector<16xi1> -> vector<16xi32>
      %add3A_120 = arith.addi %scan3A_101, %all_reduce_population_count3A : vector<16xi32>
      scf.yield %add3A_120, %add3A_119 : vector<16xi32>, vector<16xf32>
    }
    %scan3A_91 = arith.constant 546 : i32
    %reduce_sum3A_92 = arith.constant true
    %reduce_sum3A_93 = vector.broadcast %reduce_sum3A_92 : i1 to vector<16xi1>
    %reduce_sum3A_94 = tpu.scan <sum>, %scan3A_90#1 masked %reduce_sum3A_93 : vector<16xf32>, vector<16xi1> -> vector<16xf32>
    %reduce_sum3A_95 = vector.extract %reduce_sum3A_94[15] : f32 from vector<16xf32>
    %add3A_96 = arith.addf %cond3A_83#2, %reduce_sum3A_95 : f32
    %broadcast_in_dim3A_97 = vector.broadcast %add3A_96 : f32 to vector<16xf32>
    %swap3A_98 = arith.constant 0 : index
    %swap3A_99 = tpu.vector_load %arg9[%swap3A_98] {strides = array<i32>} : memref<16xf32, #tpu.memory_space<vmem>>, vector<16xf32>,
    tpu.vector_store %arg9[%swap3A_98], %broadcast_in_dim3A_97 {strides = array<i32>} : memref<16xf32, #tpu.memory_space<vmem>>, vector<16xf32>,
    "tpu.region"() ({
      %run_scoped3A_100 = tpu.sem_alloc : memref<!tpu.dma_semaphore, #tpu.memory_space<semaphore_mem>>
      %dma_start3A = arith.constant 0 : i32
      %dma_start3A_101 = tpu.memref_slice %arg5[%add3A_51, %dma_start3A] : memref<64x16xf32, #tpu.memory_space<hbm>> -> memref<1x16xf32, #tpu.memory_space<hbm>>
      %dma_start3A_102 = tpu.memref_squeeze %dma_start3A_101 : memref<1x16xf32, #tpu.memory_space<hbm>> -> memref<16xf32, #tpu.memory_space<hbm>>
      %dma_start3A_103 = arith.constant 0 : i32
      %dma_start3A_104 = tpu.memref_slice %arg5[%add3A_51, %dma_start3A_103] : memref<64x16xf32, #tpu.memory_space<hbm>> -> memref<1x16xf32, #tpu.memory_space<hbm>>
      %dma_start3A_105 = tpu.memref_squeeze %dma_start3A_104 : memref<1x16xf32, #tpu.memory_space<hbm>> -> memref<16xf32, #tpu.memory_space<hbm>>
      tpu.enqueue_dma source(%arg9 : memref<16xf32, #tpu.memory_space<vmem>>) target(%dma_start3A_105 : memref<16xf32, #tpu.memory_space<hbm>>) target_semaphore(%run_scoped3A_100 : memref<!tpu.dma_semaphore, #tpu.memory_space<semaphore_mem>>)
      %dma_wait3A = arith.constant 0 : i32
      %dma_wait3A_106 = tpu.memref_slice %arg5[%add3A_51, %dma_wait3A] : memref<64x16xf32, #tpu.memory_space<hbm>> -> memref<1x16xf32, #tpu.memory_space<hbm>>
      %dma_wait3A_107 = tpu.memref_squeeze %dma_wait3A_106 : memref<1x16xf32, #tpu.memory_space<hbm>> -> memref<16xf32, #tpu.memory_space<hbm>>
      %dma_wait3A_108 = arith.constant 0 : i32
      %dma_wait3A_109 = tpu.memref_slice %arg5[%add3A_51, %dma_wait3A_108] : memref<64x16xf32, #tpu.memory_space<hbm>> -> memref<1x16xf32, #tpu.memory_space<hbm>>
      %dma_wait3A_110 = tpu.memref_squeeze %dma_wait3A_109 : memref<1x16xf32, #tpu.memory_space<hbm>> -> memref<16xf32, #tpu.memory_space<hbm>>
      tpu.wait_dma2 semaphore(%run_scoped3A_100 : memref<!tpu.dma_semaphore, #tpu.memory_space<semaphore_mem>>) src(%arg9 : memref<16xf32, #tpu.memory_space<vmem>>) dst(%dma_wait3A_110 : memref<16xf32, #tpu.memory_space<hbm>>)
      tpu.yield
    }) : () -> ()
    return
  }
}

module attributes {stable_mosaic.version = 14 : i64} {
  func.func @_tc_body(%arg0: i32, %arg1: memref<1x81x8732xf32, #tpu.memory_space<vmem>>, %arg2: memref<1x4x8732xf32, #tpu.memory_space<vmem>>, %arg3: memref<1x4x8732xf32, #tpu.memory_space<vmem>>, %arg4: memref<1x1x8732xi32, #tpu.memory_space<vmem>>, %arg5: memref<1x2x8732xf32, #tpu.memory_space<vmem>>, %arg6: memref<1x2x8732xf32, #tpu.memory_space<vmem>>, %arg7: memref<1x2x8732xf32, #tpu.memory_space<vmem>>, %arg8: memref<1x1x8732xf32, #tpu.memory_space<vmem>>, %arg9: memref<1x1x8732xi32, #tpu.memory_space<vmem>>, %arg10: memref<1x1x3xf32, #tpu.memory_space<vmem>>) attributes {dimension_semantics = [#tpu.dimension_semantics<arbitrary>], iteration_bounds = array<i64: 64>, scalar_prefetch = 0 : i64, scratch_operands = 0 : i64, tpu.core_type = #tpu.core_type<tc>, window_params = [{transform_indices = @transform_0, window_bounds = array<i64: 1, 81, 8732>}, {transform_indices = @transform_1, window_bounds = array<i64: 1, 4, 8732>}, {transform_indices = @transform_2, window_bounds = array<i64: 1, 4, 8732>}, {transform_indices = @transform_3, window_bounds = array<i64: 1, 1, 8732>}, {pipeline_mode = #tpu.pipeline_mode<synchronous>, transform_indices = @transform_4, window_bounds = array<i64: 1, 2, 8732>}, {pipeline_mode = #tpu.pipeline_mode<synchronous>, transform_indices = @transform_5, window_bounds = array<i64: 1, 2, 8732>}, {pipeline_mode = #tpu.pipeline_mode<synchronous>, transform_indices = @transform_6, window_bounds = array<i64: 1, 2, 8732>}, {transform_indices = @transform_7, window_bounds = array<i64: 1, 1, 8732>}, {transform_indices = @transform_8, window_bounds = array<i64: 1, 1, 8732>}, {transform_indices = @transform_9, window_bounds = array<i64: 1, 1, 3>}]} {
    %broadcast_in_dim3A = arith.constant 0.000000e+00 : f32
    %broadcast_in_dim3A_0 = vector.broadcast %broadcast_in_dim3A : f32 to vector<128xf32>
    %broadcast_in_dim3A_1 = arith.constant 0.000000e+00 : f32
    %broadcast_in_dim3A_2 = vector.broadcast %broadcast_in_dim3A_1 : f32 to vector<128xf32>
    %scan3A = arith.constant 0 : i32
    %scan3A_3 = arith.constant 68 : i32
    %scan3A_4 = arith.addi %scan3A, %scan3A_3 : i32
    %scan3A_5 = arith.constant 1 : i32
    %scan3A_6:2 = scf.for %scan3A_341 = %scan3A to %scan3A_4 step %scan3A_5 iter_args(%scan3A_342 = %broadcast_in_dim3A_0, %scan3A_343 = %broadcast_in_dim3A_2) -> (vector<128xf32>, vector<128xf32>)  : i32 {
      %mul3A_344 = arith.constant 128 : i32
      %mul3A_345 = arith.muli %scan3A_341, %mul3A_344 : i32
      %get3A_346 = arith.constant 0 : index
      %get3A_347 = arith.constant 0 : index
      %get3A_348 = arith.index_cast %mul3A_345 : i32 to index
      %get3A_349 = vector.load %arg4[%get3A_346, %get3A_347, %get3A_348] : memref<1x1x8732xi32, #tpu.memory_space<vmem>>, vector<1x1x128xi32>
      %get3A_350 = vector.shape_cast %get3A_349 : vector<1x1x128xi32> to vector<128xi32>
      %get3A_351 = arith.constant 0 : index
      %get3A_352 = arith.constant 0 : index
      %get3A_353 = arith.index_cast %mul3A_345 : i32 to index
      %get3A_354 = vector.load %arg1[%get3A_351, %get3A_352, %get3A_353] : memref<1x81x8732xf32, #tpu.memory_space<vmem>>, vector<1x8x128xf32>
      %get3A_355 = vector.shape_cast %get3A_354 : vector<1x8x128xf32> to vector<8x128xf32>
      %get3A_356 = arith.constant 0 : index
      %get3A_357 = arith.constant 8 : index
      %get3A_358 = arith.index_cast %mul3A_345 : i32 to index
      %get3A_359 = vector.load %arg1[%get3A_356, %get3A_357, %get3A_358] : memref<1x81x8732xf32, #tpu.memory_space<vmem>>, vector<1x8x128xf32>
      %get3A_360 = vector.shape_cast %get3A_359 : vector<1x8x128xf32> to vector<8x128xf32>
      %get3A_361 = arith.constant 0 : index
      %get3A_362 = arith.constant 16 : index
      %get3A_363 = arith.index_cast %mul3A_345 : i32 to index
      %get3A_364 = vector.load %arg1[%get3A_361, %get3A_362, %get3A_363] : memref<1x81x8732xf32, #tpu.memory_space<vmem>>, vector<1x8x128xf32>
      %get3A_365 = vector.shape_cast %get3A_364 : vector<1x8x128xf32> to vector<8x128xf32>
      %get3A_366 = arith.constant 0 : index
      %get3A_367 = arith.constant 24 : index
      %get3A_368 = arith.index_cast %mul3A_345 : i32 to index
      %get3A_369 = vector.load %arg1[%get3A_366, %get3A_367, %get3A_368] : memref<1x81x8732xf32, #tpu.memory_space<vmem>>, vector<1x8x128xf32>
      %get3A_370 = vector.shape_cast %get3A_369 : vector<1x8x128xf32> to vector<8x128xf32>
      %get3A_371 = arith.constant 0 : index
      %get3A_372 = arith.constant 32 : index
      %get3A_373 = arith.index_cast %mul3A_345 : i32 to index
      %get3A_374 = vector.load %arg1[%get3A_371, %get3A_372, %get3A_373] : memref<1x81x8732xf32, #tpu.memory_space<vmem>>, vector<1x8x128xf32>
      %get3A_375 = vector.shape_cast %get3A_374 : vector<1x8x128xf32> to vector<8x128xf32>
      %get3A_376 = arith.constant 0 : index
      %get3A_377 = arith.constant 40 : index
      %get3A_378 = arith.index_cast %mul3A_345 : i32 to index
      %get3A_379 = vector.load %arg1[%get3A_376, %get3A_377, %get3A_378] : memref<1x81x8732xf32, #tpu.memory_space<vmem>>, vector<1x8x128xf32>
      %get3A_380 = vector.shape_cast %get3A_379 : vector<1x8x128xf32> to vector<8x128xf32>
      %get3A_381 = arith.constant 0 : index
      %get3A_382 = arith.constant 48 : index
      %get3A_383 = arith.index_cast %mul3A_345 : i32 to index
      %get3A_384 = vector.load %arg1[%get3A_381, %get3A_382, %get3A_383] : memref<1x81x8732xf32, #tpu.memory_space<vmem>>, vector<1x8x128xf32>
      %get3A_385 = vector.shape_cast %get3A_384 : vector<1x8x128xf32> to vector<8x128xf32>
      %get3A_386 = arith.constant 0 : index
      %get3A_387 = arith.constant 56 : index
      %get3A_388 = arith.index_cast %mul3A_345 : i32 to index
      %get3A_389 = vector.load %arg1[%get3A_386, %get3A_387, %get3A_388] : memref<1x81x8732xf32, #tpu.memory_space<vmem>>, vector<1x8x128xf32>
      %get3A_390 = vector.shape_cast %get3A_389 : vector<1x8x128xf32> to vector<8x128xf32>
      %get3A_391 = arith.constant 0 : index
      %get3A_392 = arith.constant 64 : index
      %get3A_393 = arith.index_cast %mul3A_345 : i32 to index
      %get3A_394 = vector.load %arg1[%get3A_391, %get3A_392, %get3A_393] : memref<1x81x8732xf32, #tpu.memory_space<vmem>>, vector<1x8x128xf32>
      %get3A_395 = vector.shape_cast %get3A_394 : vector<1x8x128xf32> to vector<8x128xf32>
      %get3A_396 = arith.constant 0 : index
      %get3A_397 = arith.constant 72 : index
      %get3A_398 = arith.index_cast %mul3A_345 : i32 to index
      %get3A_399 = vector.load %arg1[%get3A_396, %get3A_397, %get3A_398] : memref<1x81x8732xf32, #tpu.memory_space<vmem>>, vector<1x8x128xf32>
      %get3A_400 = vector.shape_cast %get3A_399 : vector<1x8x128xf32> to vector<8x128xf32>
      %get3A_401 = arith.constant 0 : index
      %get3A_402 = arith.constant 80 : index
      %get3A_403 = arith.index_cast %mul3A_345 : i32 to index
      %get3A_404 = vector.load %arg1[%get3A_401, %get3A_402, %get3A_403] : memref<1x81x8732xf32, #tpu.memory_space<vmem>>, vector<1x1x128xf32>
      %get3A_405 = vector.shape_cast %get3A_404 : vector<1x1x128xf32> to vector<128xf32>
      %max3A_406 = arith.maximumf %get3A_355, %get3A_360 : vector<8x128xf32>
      %max3A_407 = arith.maximumf %max3A_406, %get3A_365 : vector<8x128xf32>
      %max3A_408 = arith.maximumf %max3A_407, %get3A_370 : vector<8x128xf32>
      %max3A_409 = arith.maximumf %max3A_408, %get3A_375 : vector<8x128xf32>
      %max3A_410 = arith.maximumf %max3A_409, %get3A_380 : vector<8x128xf32>
      %max3A_411 = arith.maximumf %max3A_410, %get3A_385 : vector<8x128xf32>
      %max3A_412 = arith.maximumf %max3A_411, %get3A_390 : vector<8x128xf32>
      %max3A_413 = arith.maximumf %max3A_412, %get3A_395 : vector<8x128xf32>
      %max3A_414 = arith.maximumf %max3A_413, %get3A_400 : vector<8x128xf32>
      %reduce_max3A_415 = arith.constant dense<0xFF800000> : vector<128xf32>
      %reduce_max3A_416 = vector.multi_reduction <maximumf>, %max3A_414, %reduce_max3A_415 [0] : vector<8x128xf32> to vector<128xf32>
      %max3A_417 = arith.maximumf %reduce_max3A_416, %get3A_405 : vector<128xf32>
      %broadcast_in_dim3A_418 = vector.shape_cast %max3A_417 : vector<128xf32> to vector<1x128xf32>
      %broadcast_in_dim3A_419 = vector.shape_cast %get3A_350 : vector<128xi32> to vector<1x128xi32>
      %broadcast_in_dim3A_420 = arith.constant 0.000000e+00 : f32
      %broadcast_in_dim3A_421 = vector.broadcast %broadcast_in_dim3A_420 : f32 to vector<8x128xf32>
      %broadcast_in_dim3A_422 = arith.constant 0.000000e+00 : f32
      %broadcast_in_dim3A_423 = vector.broadcast %broadcast_in_dim3A_422 : f32 to vector<8x128xf32>
      %sub3A_424 = vector.broadcast %broadcast_in_dim3A_418 : vector<1x128xf32> to vector<8x128xf32>
      %sub3A_425 = arith.subf %get3A_355, %sub3A_424 : vector<8x128xf32>
      %exp3A_426 = math.exp %sub3A_425 : vector<8x128xf32>
      %add3A_427 = arith.addf %broadcast_in_dim3A_421, %exp3A_426 : vector<8x128xf32>
      %iota3A_428 = tpu.iota {dimensions = array<i32: 0>} : vector<8x128xi32>
      %add3A_429 = arith.constant 0 : i32
      %add3A_430 = vector.broadcast %add3A_429 : i32 to vector<8x128xi32>
      %add3A_431 = arith.addi %iota3A_428, %add3A_430 : vector<8x128xi32>
      %eq3A_432 = vector.broadcast %broadcast_in_dim3A_419 : vector<1x128xi32> to vector<8x128xi32>
      %eq3A_433 = arith.cmpi eq, %add3A_431, %eq3A_432 : vector<8x128xi32>
      %jit3A_434 = arith.constant 0.000000e+00 : f32
      %broadcast_in_dim3A_435 = vector.broadcast %jit3A_434 : f32 to vector<8x128xf32>
      %select_n3A_436 = arith.select %eq3A_433, %get3A_355, %broadcast_in_dim3A_435 : vector<8x128xi1>, vector<8x128xf32>
      %add3A_437 = arith.addf %broadcast_in_dim3A_423, %select_n3A_436 : vector<8x128xf32>
      %sub3A_438 = vector.broadcast %broadcast_in_dim3A_418 : vector<1x128xf32> to vector<8x128xf32>
      %sub3A_439 = arith.subf %get3A_360, %sub3A_438 : vector<8x128xf32>
      %exp3A_440 = math.exp %sub3A_439 : vector<8x128xf32>
      %add3A_441 = arith.addf %add3A_427, %exp3A_440 : vector<8x128xf32>
      %iota3A_442 = tpu.iota {dimensions = array<i32: 0>} : vector<8x128xi32>
      %add3A_443 = arith.constant 8 : i32
      %add3A_444 = vector.broadcast %add3A_443 : i32 to vector<8x128xi32>
      %add3A_445 = arith.addi %iota3A_442, %add3A_444 : vector<8x128xi32>
      %eq3A_446 = vector.broadcast %broadcast_in_dim3A_419 : vector<1x128xi32> to vector<8x128xi32>
      %eq3A_447 = arith.cmpi eq, %add3A_445, %eq3A_446 : vector<8x128xi32>
      %jit3A_448 = arith.constant 0.000000e+00 : f32
      %broadcast_in_dim3A_449 = vector.broadcast %jit3A_448 : f32 to vector<8x128xf32>
      %select_n3A_450 = arith.select %eq3A_447, %get3A_360, %broadcast_in_dim3A_449 : vector<8x128xi1>, vector<8x128xf32>
      %add3A_451 = arith.addf %add3A_437, %select_n3A_450 : vector<8x128xf32>
      %sub3A_452 = vector.broadcast %broadcast_in_dim3A_418 : vector<1x128xf32> to vector<8x128xf32>
      %sub3A_453 = arith.subf %get3A_365, %sub3A_452 : vector<8x128xf32>
      %exp3A_454 = math.exp %sub3A_453 : vector<8x128xf32>
      %add3A_455 = arith.addf %add3A_441, %exp3A_454 : vector<8x128xf32>
      %iota3A_456 = tpu.iota {dimensions = array<i32: 0>} : vector<8x128xi32>
      %add3A_457 = arith.constant 16 : i32
      %add3A_458 = vector.broadcast %add3A_457 : i32 to vector<8x128xi32>
      %add3A_459 = arith.addi %iota3A_456, %add3A_458 : vector<8x128xi32>
      %eq3A_460 = vector.broadcast %broadcast_in_dim3A_419 : vector<1x128xi32> to vector<8x128xi32>
      %eq3A_461 = arith.cmpi eq, %add3A_459, %eq3A_460 : vector<8x128xi32>
      %jit3A_462 = arith.constant 0.000000e+00 : f32
      %broadcast_in_dim3A_463 = vector.broadcast %jit3A_462 : f32 to vector<8x128xf32>
      %select_n3A_464 = arith.select %eq3A_461, %get3A_365, %broadcast_in_dim3A_463 : vector<8x128xi1>, vector<8x128xf32>
      %add3A_465 = arith.addf %add3A_451, %select_n3A_464 : vector<8x128xf32>
      %sub3A_466 = vector.broadcast %broadcast_in_dim3A_418 : vector<1x128xf32> to vector<8x128xf32>
      %sub3A_467 = arith.subf %get3A_370, %sub3A_466 : vector<8x128xf32>
      %exp3A_468 = math.exp %sub3A_467 : vector<8x128xf32>
      %add3A_469 = arith.addf %add3A_455, %exp3A_468 : vector<8x128xf32>
      %iota3A_470 = tpu.iota {dimensions = array<i32: 0>} : vector<8x128xi32>
      %add3A_471 = arith.constant 24 : i32
      %add3A_472 = vector.broadcast %add3A_471 : i32 to vector<8x128xi32>
      %add3A_473 = arith.addi %iota3A_470, %add3A_472 : vector<8x128xi32>
      %eq3A_474 = vector.broadcast %broadcast_in_dim3A_419 : vector<1x128xi32> to vector<8x128xi32>
      %eq3A_475 = arith.cmpi eq, %add3A_473, %eq3A_474 : vector<8x128xi32>
      %jit3A_476 = arith.constant 0.000000e+00 : f32
      %broadcast_in_dim3A_477 = vector.broadcast %jit3A_476 : f32 to vector<8x128xf32>
      %select_n3A_478 = arith.select %eq3A_475, %get3A_370, %broadcast_in_dim3A_477 : vector<8x128xi1>, vector<8x128xf32>
      %add3A_479 = arith.addf %add3A_465, %select_n3A_478 : vector<8x128xf32>
      %sub3A_480 = vector.broadcast %broadcast_in_dim3A_418 : vector<1x128xf32> to vector<8x128xf32>
      %sub3A_481 = arith.subf %get3A_375, %sub3A_480 : vector<8x128xf32>
      %exp3A_482 = math.exp %sub3A_481 : vector<8x128xf32>
      %add3A_483 = arith.addf %add3A_469, %exp3A_482 : vector<8x128xf32>
      %iota3A_484 = tpu.iota {dimensions = array<i32: 0>} : vector<8x128xi32>
      %add3A_485 = arith.constant 32 : i32
      %add3A_486 = vector.broadcast %add3A_485 : i32 to vector<8x128xi32>
      %add3A_487 = arith.addi %iota3A_484, %add3A_486 : vector<8x128xi32>
      %eq3A_488 = vector.broadcast %broadcast_in_dim3A_419 : vector<1x128xi32> to vector<8x128xi32>
      %eq3A_489 = arith.cmpi eq, %add3A_487, %eq3A_488 : vector<8x128xi32>
      %jit3A_490 = arith.constant 0.000000e+00 : f32
      %broadcast_in_dim3A_491 = vector.broadcast %jit3A_490 : f32 to vector<8x128xf32>
      %select_n3A_492 = arith.select %eq3A_489, %get3A_375, %broadcast_in_dim3A_491 : vector<8x128xi1>, vector<8x128xf32>
      %add3A_493 = arith.addf %add3A_479, %select_n3A_492 : vector<8x128xf32>
      %sub3A_494 = vector.broadcast %broadcast_in_dim3A_418 : vector<1x128xf32> to vector<8x128xf32>
      %sub3A_495 = arith.subf %get3A_380, %sub3A_494 : vector<8x128xf32>
      %exp3A_496 = math.exp %sub3A_495 : vector<8x128xf32>
      %add3A_497 = arith.addf %add3A_483, %exp3A_496 : vector<8x128xf32>
      %iota3A_498 = tpu.iota {dimensions = array<i32: 0>} : vector<8x128xi32>
      %add3A_499 = arith.constant 40 : i32
      %add3A_500 = vector.broadcast %add3A_499 : i32 to vector<8x128xi32>
      %add3A_501 = arith.addi %iota3A_498, %add3A_500 : vector<8x128xi32>
      %eq3A_502 = vector.broadcast %broadcast_in_dim3A_419 : vector<1x128xi32> to vector<8x128xi32>
      %eq3A_503 = arith.cmpi eq, %add3A_501, %eq3A_502 : vector<8x128xi32>
      %jit3A_504 = arith.constant 0.000000e+00 : f32
      %broadcast_in_dim3A_505 = vector.broadcast %jit3A_504 : f32 to vector<8x128xf32>
      %select_n3A_506 = arith.select %eq3A_503, %get3A_380, %broadcast_in_dim3A_505 : vector<8x128xi1>, vector<8x128xf32>
      %add3A_507 = arith.addf %add3A_493, %select_n3A_506 : vector<8x128xf32>
      %sub3A_508 = vector.broadcast %broadcast_in_dim3A_418 : vector<1x128xf32> to vector<8x128xf32>
      %sub3A_509 = arith.subf %get3A_385, %sub3A_508 : vector<8x128xf32>
      %exp3A_510 = math.exp %sub3A_509 : vector<8x128xf32>
      %add3A_511 = arith.addf %add3A_497, %exp3A_510 : vector<8x128xf32>
      %iota3A_512 = tpu.iota {dimensions = array<i32: 0>} : vector<8x128xi32>
      %add3A_513 = arith.constant 48 : i32
      %add3A_514 = vector.broadcast %add3A_513 : i32 to vector<8x128xi32>
      %add3A_515 = arith.addi %iota3A_512, %add3A_514 : vector<8x128xi32>
      %eq3A_516 = vector.broadcast %broadcast_in_dim3A_419 : vector<1x128xi32> to vector<8x128xi32>
      %eq3A_517 = arith.cmpi eq, %add3A_515, %eq3A_516 : vector<8x128xi32>
      %jit3A_518 = arith.constant 0.000000e+00 : f32
      %broadcast_in_dim3A_519 = vector.broadcast %jit3A_518 : f32 to vector<8x128xf32>
      %select_n3A_520 = arith.select %eq3A_517, %get3A_385, %broadcast_in_dim3A_519 : vector<8x128xi1>, vector<8x128xf32>
      %add3A_521 = arith.addf %add3A_507, %select_n3A_520 : vector<8x128xf32>
      %sub3A_522 = vector.broadcast %broadcast_in_dim3A_418 : vector<1x128xf32> to vector<8x128xf32>
      %sub3A_523 = arith.subf %get3A_390, %sub3A_522 : vector<8x128xf32>
      %exp3A_524 = math.exp %sub3A_523 : vector<8x128xf32>
      %add3A_525 = arith.addf %add3A_511, %exp3A_524 : vector<8x128xf32>
      %iota3A_526 = tpu.iota {dimensions = array<i32: 0>} : vector<8x128xi32>
      %add3A_527 = arith.constant 56 : i32
      %add3A_528 = vector.broadcast %add3A_527 : i32 to vector<8x128xi32>
      %add3A_529 = arith.addi %iota3A_526, %add3A_528 : vector<8x128xi32>
      %eq3A_530 = vector.broadcast %broadcast_in_dim3A_419 : vector<1x128xi32> to vector<8x128xi32>
      %eq3A_531 = arith.cmpi eq, %add3A_529, %eq3A_530 : vector<8x128xi32>
      %jit3A_532 = arith.constant 0.000000e+00 : f32
      %broadcast_in_dim3A_533 = vector.broadcast %jit3A_532 : f32 to vector<8x128xf32>
      %select_n3A_534 = arith.select %eq3A_531, %get3A_390, %broadcast_in_dim3A_533 : vector<8x128xi1>, vector<8x128xf32>
      %add3A_535 = arith.addf %add3A_521, %select_n3A_534 : vector<8x128xf32>
      %sub3A_536 = vector.broadcast %broadcast_in_dim3A_418 : vector<1x128xf32> to vector<8x128xf32>
      %sub3A_537 = arith.subf %get3A_395, %sub3A_536 : vector<8x128xf32>
      %exp3A_538 = math.exp %sub3A_537 : vector<8x128xf32>
      %add3A_539 = arith.addf %add3A_525, %exp3A_538 : vector<8x128xf32>
      %iota3A_540 = tpu.iota {dimensions = array<i32: 0>} : vector<8x128xi32>
      %add3A_541 = arith.constant 64 : i32
      %add3A_542 = vector.broadcast %add3A_541 : i32 to vector<8x128xi32>
      %add3A_543 = arith.addi %iota3A_540, %add3A_542 : vector<8x128xi32>
      %eq3A_544 = vector.broadcast %broadcast_in_dim3A_419 : vector<1x128xi32> to vector<8x128xi32>
      %eq3A_545 = arith.cmpi eq, %add3A_543, %eq3A_544 : vector<8x128xi32>
      %jit3A_546 = arith.constant 0.000000e+00 : f32
      %broadcast_in_dim3A_547 = vector.broadcast %jit3A_546 : f32 to vector<8x128xf32>
      %select_n3A_548 = arith.select %eq3A_545, %get3A_395, %broadcast_in_dim3A_547 : vector<8x128xi1>, vector<8x128xf32>
      %add3A_549 = arith.addf %add3A_535, %select_n3A_548 : vector<8x128xf32>
      %sub3A_550 = vector.broadcast %broadcast_in_dim3A_418 : vector<1x128xf32> to vector<8x128xf32>
      %sub3A_551 = arith.subf %get3A_400, %sub3A_550 : vector<8x128xf32>
      %exp3A_552 = math.exp %sub3A_551 : vector<8x128xf32>
      %add3A_553 = arith.addf %add3A_539, %exp3A_552 : vector<8x128xf32>
      %iota3A_554 = tpu.iota {dimensions = array<i32: 0>} : vector<8x128xi32>
      %add3A_555 = arith.constant 72 : i32
      %add3A_556 = vector.broadcast %add3A_555 : i32 to vector<8x128xi32>
      %add3A_557 = arith.addi %iota3A_554, %add3A_556 : vector<8x128xi32>
      %eq3A_558 = vector.broadcast %broadcast_in_dim3A_419 : vector<1x128xi32> to vector<8x128xi32>
      %eq3A_559 = arith.cmpi eq, %add3A_557, %eq3A_558 : vector<8x128xi32>
      %jit3A_560 = arith.constant 0.000000e+00 : f32
      %broadcast_in_dim3A_561 = vector.broadcast %jit3A_560 : f32 to vector<8x128xf32>
      %select_n3A_562 = arith.select %eq3A_559, %get3A_400, %broadcast_in_dim3A_561 : vector<8x128xi1>, vector<8x128xf32>
      %add3A_563 = arith.addf %add3A_549, %select_n3A_562 : vector<8x128xf32>
      %reduce_sum3A_564 = arith.constant dense<0.000000e+00> : vector<128xf32>
      %reduce_sum3A_565 = vector.multi_reduction <add>, %add3A_553, %reduce_sum3A_564 [0] : vector<8x128xf32> to vector<128xf32>
      %sub3A_566 = arith.subf %get3A_405, %max3A_417 : vector<128xf32>
      %exp3A_567 = math.exp %sub3A_566 : vector<128xf32>
      %add3A_568 = arith.addf %reduce_sum3A_565, %exp3A_567 : vector<128xf32>
      %reduce_sum3A_569 = arith.constant dense<0.000000e+00> : vector<128xf32>
      %reduce_sum3A_570 = vector.multi_reduction <add>, %add3A_563, %reduce_sum3A_569 [0] : vector<8x128xf32> to vector<128xf32>
      %eq3A_571 = arith.constant 80 : i32
      %eq3A_572 = vector.broadcast %eq3A_571 : i32 to vector<128xi32>
      %eq3A_573 = arith.cmpi eq, %get3A_350, %eq3A_572 : vector<128xi32>
      %jit3A_574 = arith.constant 0.000000e+00 : f32
      %broadcast_in_dim3A_575 = vector.broadcast %jit3A_574 : f32 to vector<128xf32>
      %select_n3A_576 = arith.select %eq3A_573, %get3A_405, %broadcast_in_dim3A_575 : vector<128xi1>, vector<128xf32>
      %add3A_577 = arith.addf %reduce_sum3A_570, %select_n3A_576 : vector<128xf32>
      %log3A_578 = math.log %add3A_568 : vector<128xf32>
      %add3A_579 = arith.addf %max3A_417, %log3A_578 : vector<128xf32>
      %sub3A_580 = arith.subf %add3A_579, %add3A_577 : vector<128xf32>
      %gt3A_581 = arith.constant 0 : i32
      %gt3A_582 = vector.broadcast %gt3A_581 : i32 to vector<128xi32>
      %gt3A_583 = arith.cmpi sgt, %get3A_350, %gt3A_582 : vector<128xi32>
      %convert_element_type3A_584 = arith.extui %gt3A_583 : vector<128xi1> to vector<128xi32>
      %convert_element_type3A_585 = arith.sitofp %convert_element_type3A_584 : vector<128xi32> to vector<128xf32>
      %jit3A_586 = arith.constant 0.000000e+00 : f32
      %broadcast_in_dim3A_587 = vector.broadcast %jit3A_586 : f32 to vector<128xf32>
      %select_n3A_588 = arith.select %gt3A_583, %broadcast_in_dim3A_587, %sub3A_580 : vector<128xi1>, vector<128xf32>
      %swap3A_589 = arith.constant 0 : index
      %swap3A_590 = arith.constant 0 : index
      %swap3A_591 = arith.index_cast %mul3A_345 : i32 to index
      %swap3A_592 = vector.load %arg8[%swap3A_589, %swap3A_590, %swap3A_591] : memref<1x1x8732xf32, #tpu.memory_space<vmem>>, vector<1x1x128xf32>
      %swap3A_593 = vector.shape_cast %swap3A_592 : vector<1x1x128xf32> to vector<128xf32>
      %swap3A_594 = vector.shape_cast %sub3A_580 : vector<128xf32> to vector<1x1x128xf32>
      tpu.vector_store %arg8[%swap3A_589, %swap3A_590, %swap3A_591], %swap3A_594 {strides = array<i32>} : memref<1x1x8732xf32, #tpu.memory_space<vmem>>, vector<1x1x128xf32>,
      %bitcast_convert_type3A_595 = tpu.bitcast %select_n3A_588 : vector<128xf32> -> vector<128xi32>
      %swap3A_596 = arith.constant 0 : index
      %swap3A_597 = arith.constant 0 : index
      %swap3A_598 = arith.index_cast %mul3A_345 : i32 to index
      %swap3A_599 = vector.load %arg9[%swap3A_596, %swap3A_597, %swap3A_598] : memref<1x1x8732xi32, #tpu.memory_space<vmem>>, vector<1x1x128xi32>
      %swap3A_600 = vector.shape_cast %swap3A_599 : vector<1x1x128xi32> to vector<128xi32>
      %swap3A_601 = vector.shape_cast %bitcast_convert_type3A_595 : vector<128xi32> to vector<1x1x128xi32>
      tpu.vector_store %arg9[%swap3A_596, %swap3A_597, %swap3A_598], %swap3A_601 {strides = array<i32>} : memref<1x1x8732xi32, #tpu.memory_space<vmem>>, vector<1x1x128xi32>,
      %mul3A_602 = arith.mulf %sub3A_580, %convert_element_type3A_585 : vector<128xf32>
      %add3A_603 = arith.addf %scan3A_342, %mul3A_602 : vector<128xf32>
      %add3A_604 = arith.addf %scan3A_343, %convert_element_type3A_585 : vector<128xf32>
      scf.yield %add3A_603, %add3A_604 : vector<128xf32>, vector<128xf32>
    }
    %scan3A_7 = arith.constant 68 : i32
    %get3A = arith.constant 0 : index
    %get3A_8 = arith.constant 0 : index
    %get3A_9 = arith.constant 8704 : index
    %get3A_10 = vector.load %arg4[%get3A, %get3A_8, %get3A_9] : memref<1x1x8732xi32, #tpu.memory_space<vmem>>, vector<1x1x28xi32>
    %get3A_11 = vector.shape_cast %get3A_10 : vector<1x1x28xi32> to vector<28xi32>
    %get3A_12 = arith.constant 0 : index
    %get3A_13 = arith.constant 0 : index
    %get3A_14 = arith.constant 8704 : index
    %get3A_15 = vector.load %arg1[%get3A_12, %get3A_13, %get3A_14] : memref<1x81x8732xf32, #tpu.memory_space<vmem>>, vector<1x8x28xf32>
    %get3A_16 = vector.shape_cast %get3A_15 : vector<1x8x28xf32> to vector<8x28xf32>
    %get3A_17 = arith.constant 0 : index
    %get3A_18 = arith.constant 8 : index
    %get3A_19 = arith.constant 8704 : index
    %get3A_20 = vector.load %arg1[%get3A_17, %get3A_18, %get3A_19] : memref<1x81x8732xf32, #tpu.memory_space<vmem>>, vector<1x8x28xf32>
    %get3A_21 = vector.shape_cast %get3A_20 : vector<1x8x28xf32> to vector<8x28xf32>
    %get3A_22 = arith.constant 0 : index
    %get3A_23 = arith.constant 16 : index
    %get3A_24 = arith.constant 8704 : index
    %get3A_25 = vector.load %arg1[%get3A_22, %get3A_23, %get3A_24] : memref<1x81x8732xf32, #tpu.memory_space<vmem>>, vector<1x8x28xf32>
    %get3A_26 = vector.shape_cast %get3A_25 : vector<1x8x28xf32> to vector<8x28xf32>
    %get3A_27 = arith.constant 0 : index
    %get3A_28 = arith.constant 24 : index
    %get3A_29 = arith.constant 8704 : index
    %get3A_30 = vector.load %arg1[%get3A_27, %get3A_28, %get3A_29] : memref<1x81x8732xf32, #tpu.memory_space<vmem>>, vector<1x8x28xf32>
    %get3A_31 = vector.shape_cast %get3A_30 : vector<1x8x28xf32> to vector<8x28xf32>
    %get3A_32 = arith.constant 0 : index
    %get3A_33 = arith.constant 32 : index
    %get3A_34 = arith.constant 8704 : index
    %get3A_35 = vector.load %arg1[%get3A_32, %get3A_33, %get3A_34] : memref<1x81x8732xf32, #tpu.memory_space<vmem>>, vector<1x8x28xf32>
    %get3A_36 = vector.shape_cast %get3A_35 : vector<1x8x28xf32> to vector<8x28xf32>
    %get3A_37 = arith.constant 0 : index
    %get3A_38 = arith.constant 40 : index
    %get3A_39 = arith.constant 8704 : index
    %get3A_40 = vector.load %arg1[%get3A_37, %get3A_38, %get3A_39] : memref<1x81x8732xf32, #tpu.memory_space<vmem>>, vector<1x8x28xf32>
    %get3A_41 = vector.shape_cast %get3A_40 : vector<1x8x28xf32> to vector<8x28xf32>
    %get3A_42 = arith.constant 0 : index
    %get3A_43 = arith.constant 48 : index
    %get3A_44 = arith.constant 8704 : index
    %get3A_45 = vector.load %arg1[%get3A_42, %get3A_43, %get3A_44] : memref<1x81x8732xf32, #tpu.memory_space<vmem>>, vector<1x8x28xf32>
    %get3A_46 = vector.shape_cast %get3A_45 : vector<1x8x28xf32> to vector<8x28xf32>
    %get3A_47 = arith.constant 0 : index
    %get3A_48 = arith.constant 56 : index
    %get3A_49 = arith.constant 8704 : index
    %get3A_50 = vector.load %arg1[%get3A_47, %get3A_48, %get3A_49] : memref<1x81x8732xf32, #tpu.memory_space<vmem>>, vector<1x8x28xf32>
    %get3A_51 = vector.shape_cast %get3A_50 : vector<1x8x28xf32> to vector<8x28xf32>
    %get3A_52 = arith.constant 0 : index
    %get3A_53 = arith.constant 64 : index
    %get3A_54 = arith.constant 8704 : index
    %get3A_55 = vector.load %arg1[%get3A_52, %get3A_53, %get3A_54] : memref<1x81x8732xf32, #tpu.memory_space<vmem>>, vector<1x8x28xf32>
    %get3A_56 = vector.shape_cast %get3A_55 : vector<1x8x28xf32> to vector<8x28xf32>
    %get3A_57 = arith.constant 0 : index
    %get3A_58 = arith.constant 72 : index
    %get3A_59 = arith.constant 8704 : index
    %get3A_60 = vector.load %arg1[%get3A_57, %get3A_58, %get3A_59] : memref<1x81x8732xf32, #tpu.memory_space<vmem>>, vector<1x8x28xf32>
    %get3A_61 = vector.shape_cast %get3A_60 : vector<1x8x28xf32> to vector<8x28xf32>
    %get3A_62 = arith.constant 0 : index
    %get3A_63 = arith.constant 80 : index
    %get3A_64 = arith.constant 8704 : index
    %get3A_65 = vector.load %arg1[%get3A_62, %get3A_63, %get3A_64] : memref<1x81x8732xf32, #tpu.memory_space<vmem>>, vector<1x1x28xf32>
    %get3A_66 = vector.shape_cast %get3A_65 : vector<1x1x28xf32> to vector<28xf32>
    %max3A = arith.maximumf %get3A_16, %get3A_21 : vector<8x28xf32>
    %max3A_67 = arith.maximumf %max3A, %get3A_26 : vector<8x28xf32>
    %max3A_68 = arith.maximumf %max3A_67, %get3A_31 : vector<8x28xf32>
    %max3A_69 = arith.maximumf %max3A_68, %get3A_36 : vector<8x28xf32>
    %max3A_70 = arith.maximumf %max3A_69, %get3A_41 : vector<8x28xf32>
    %max3A_71 = arith.maximumf %max3A_70, %get3A_46 : vector<8x28xf32>
    %max3A_72 = arith.maximumf %max3A_71, %get3A_51 : vector<8x28xf32>
    %max3A_73 = arith.maximumf %max3A_72, %get3A_56 : vector<8x28xf32>
    %max3A_74 = arith.maximumf %max3A_73, %get3A_61 : vector<8x28xf32>
    %reduce_max3A = arith.constant dense<0xFF800000> : vector<28xf32>
    %reduce_max3A_75 = vector.multi_reduction <maximumf>, %max3A_74, %reduce_max3A [0] : vector<8x28xf32> to vector<28xf32>
    %max3A_76 = arith.maximumf %reduce_max3A_75, %get3A_66 : vector<28xf32>
    %broadcast_in_dim3A_77 = vector.shape_cast %max3A_76 : vector<28xf32> to vector<1x28xf32>
    %broadcast_in_dim3A_78 = vector.shape_cast %get3A_11 : vector<28xi32> to vector<1x28xi32>
    %broadcast_in_dim3A_79 = arith.constant 0.000000e+00 : f32
    %broadcast_in_dim3A_80 = vector.broadcast %broadcast_in_dim3A_79 : f32 to vector<8x28xf32>
    %broadcast_in_dim3A_81 = arith.constant 0.000000e+00 : f32
    %broadcast_in_dim3A_82 = vector.broadcast %broadcast_in_dim3A_81 : f32 to vector<8x28xf32>
    %sub3A = vector.broadcast %broadcast_in_dim3A_77 : vector<1x28xf32> to vector<8x28xf32>
    %sub3A_83 = arith.subf %get3A_16, %sub3A : vector<8x28xf32>
    %exp3A = math.exp %sub3A_83 : vector<8x28xf32>
    %add3A = arith.addf %broadcast_in_dim3A_80, %exp3A : vector<8x28xf32>
    %iota3A = tpu.iota {dimensions = array<i32: 0>} : vector<8x28xi32>
    %add3A_84 = arith.constant 0 : i32
    %add3A_85 = vector.broadcast %add3A_84 : i32 to vector<8x28xi32>
    %add3A_86 = arith.addi %iota3A, %add3A_85 : vector<8x28xi32>
    %eq3A = vector.broadcast %broadcast_in_dim3A_78 : vector<1x28xi32> to vector<8x28xi32>
    %eq3A_87 = arith.cmpi eq, %add3A_86, %eq3A : vector<8x28xi32>
    %jit3A = arith.constant 0.000000e+00 : f32
    %broadcast_in_dim3A_88 = vector.broadcast %jit3A : f32 to vector<8x28xf32>
    %select_n3A = arith.select %eq3A_87, %get3A_16, %broadcast_in_dim3A_88 : vector<8x28xi1>, vector<8x28xf32>
    %add3A_89 = arith.addf %broadcast_in_dim3A_82, %select_n3A : vector<8x28xf32>
    %sub3A_90 = vector.broadcast %broadcast_in_dim3A_77 : vector<1x28xf32> to vector<8x28xf32>
    %sub3A_91 = arith.subf %get3A_21, %sub3A_90 : vector<8x28xf32>
    %exp3A_92 = math.exp %sub3A_91 : vector<8x28xf32>
    %add3A_93 = arith.addf %add3A, %exp3A_92 : vector<8x28xf32>
    %iota3A_94 = tpu.iota {dimensions = array<i32: 0>} : vector<8x28xi32>
    %add3A_95 = arith.constant 8 : i32
    %add3A_96 = vector.broadcast %add3A_95 : i32 to vector<8x28xi32>
    %add3A_97 = arith.addi %iota3A_94, %add3A_96 : vector<8x28xi32>
    %eq3A_98 = vector.broadcast %broadcast_in_dim3A_78 : vector<1x28xi32> to vector<8x28xi32>
    %eq3A_99 = arith.cmpi eq, %add3A_97, %eq3A_98 : vector<8x28xi32>
    %jit3A_100 = arith.constant 0.000000e+00 : f32
    %broadcast_in_dim3A_101 = vector.broadcast %jit3A_100 : f32 to vector<8x28xf32>
    %select_n3A_102 = arith.select %eq3A_99, %get3A_21, %broadcast_in_dim3A_101 : vector<8x28xi1>, vector<8x28xf32>
    %add3A_103 = arith.addf %add3A_89, %select_n3A_102 : vector<8x28xf32>
    %sub3A_104 = vector.broadcast %broadcast_in_dim3A_77 : vector<1x28xf32> to vector<8x28xf32>
    %sub3A_105 = arith.subf %get3A_26, %sub3A_104 : vector<8x28xf32>
    %exp3A_106 = math.exp %sub3A_105 : vector<8x28xf32>
    %add3A_107 = arith.addf %add3A_93, %exp3A_106 : vector<8x28xf32>
    %iota3A_108 = tpu.iota {dimensions = array<i32: 0>} : vector<8x28xi32>
    %add3A_109 = arith.constant 16 : i32
    %add3A_110 = vector.broadcast %add3A_109 : i32 to vector<8x28xi32>
    %add3A_111 = arith.addi %iota3A_108, %add3A_110 : vector<8x28xi32>
    %eq3A_112 = vector.broadcast %broadcast_in_dim3A_78 : vector<1x28xi32> to vector<8x28xi32>
    %eq3A_113 = arith.cmpi eq, %add3A_111, %eq3A_112 : vector<8x28xi32>
    %jit3A_114 = arith.constant 0.000000e+00 : f32
    %broadcast_in_dim3A_115 = vector.broadcast %jit3A_114 : f32 to vector<8x28xf32>
    %select_n3A_116 = arith.select %eq3A_113, %get3A_26, %broadcast_in_dim3A_115 : vector<8x28xi1>, vector<8x28xf32>
    %add3A_117 = arith.addf %add3A_103, %select_n3A_116 : vector<8x28xf32>
    %sub3A_118 = vector.broadcast %broadcast_in_dim3A_77 : vector<1x28xf32> to vector<8x28xf32>
    %sub3A_119 = arith.subf %get3A_31, %sub3A_118 : vector<8x28xf32>
    %exp3A_120 = math.exp %sub3A_119 : vector<8x28xf32>
    %add3A_121 = arith.addf %add3A_107, %exp3A_120 : vector<8x28xf32>
    %iota3A_122 = tpu.iota {dimensions = array<i32: 0>} : vector<8x28xi32>
    %add3A_123 = arith.constant 24 : i32
    %add3A_124 = vector.broadcast %add3A_123 : i32 to vector<8x28xi32>
    %add3A_125 = arith.addi %iota3A_122, %add3A_124 : vector<8x28xi32>
    %eq3A_126 = vector.broadcast %broadcast_in_dim3A_78 : vector<1x28xi32> to vector<8x28xi32>
    %eq3A_127 = arith.cmpi eq, %add3A_125, %eq3A_126 : vector<8x28xi32>
    %jit3A_128 = arith.constant 0.000000e+00 : f32
    %broadcast_in_dim3A_129 = vector.broadcast %jit3A_128 : f32 to vector<8x28xf32>
    %select_n3A_130 = arith.select %eq3A_127, %get3A_31, %broadcast_in_dim3A_129 : vector<8x28xi1>, vector<8x28xf32>
    %add3A_131 = arith.addf %add3A_117, %select_n3A_130 : vector<8x28xf32>
    %sub3A_132 = vector.broadcast %broadcast_in_dim3A_77 : vector<1x28xf32> to vector<8x28xf32>
    %sub3A_133 = arith.subf %get3A_36, %sub3A_132 : vector<8x28xf32>
    %exp3A_134 = math.exp %sub3A_133 : vector<8x28xf32>
    %add3A_135 = arith.addf %add3A_121, %exp3A_134 : vector<8x28xf32>
    %iota3A_136 = tpu.iota {dimensions = array<i32: 0>} : vector<8x28xi32>
    %add3A_137 = arith.constant 32 : i32
    %add3A_138 = vector.broadcast %add3A_137 : i32 to vector<8x28xi32>
    %add3A_139 = arith.addi %iota3A_136, %add3A_138 : vector<8x28xi32>
    %eq3A_140 = vector.broadcast %broadcast_in_dim3A_78 : vector<1x28xi32> to vector<8x28xi32>
    %eq3A_141 = arith.cmpi eq, %add3A_139, %eq3A_140 : vector<8x28xi32>
    %jit3A_142 = arith.constant 0.000000e+00 : f32
    %broadcast_in_dim3A_143 = vector.broadcast %jit3A_142 : f32 to vector<8x28xf32>
    %select_n3A_144 = arith.select %eq3A_141, %get3A_36, %broadcast_in_dim3A_143 : vector<8x28xi1>, vector<8x28xf32>
    %add3A_145 = arith.addf %add3A_131, %select_n3A_144 : vector<8x28xf32>
    %sub3A_146 = vector.broadcast %broadcast_in_dim3A_77 : vector<1x28xf32> to vector<8x28xf32>
    %sub3A_147 = arith.subf %get3A_41, %sub3A_146 : vector<8x28xf32>
    %exp3A_148 = math.exp %sub3A_147 : vector<8x28xf32>
    %add3A_149 = arith.addf %add3A_135, %exp3A_148 : vector<8x28xf32>
    %iota3A_150 = tpu.iota {dimensions = array<i32: 0>} : vector<8x28xi32>
    %add3A_151 = arith.constant 40 : i32
    %add3A_152 = vector.broadcast %add3A_151 : i32 to vector<8x28xi32>
    %add3A_153 = arith.addi %iota3A_150, %add3A_152 : vector<8x28xi32>
    %eq3A_154 = vector.broadcast %broadcast_in_dim3A_78 : vector<1x28xi32> to vector<8x28xi32>
    %eq3A_155 = arith.cmpi eq, %add3A_153, %eq3A_154 : vector<8x28xi32>
    %jit3A_156 = arith.constant 0.000000e+00 : f32
    %broadcast_in_dim3A_157 = vector.broadcast %jit3A_156 : f32 to vector<8x28xf32>
    %select_n3A_158 = arith.select %eq3A_155, %get3A_41, %broadcast_in_dim3A_157 : vector<8x28xi1>, vector<8x28xf32>
    %add3A_159 = arith.addf %add3A_145, %select_n3A_158 : vector<8x28xf32>
    %sub3A_160 = vector.broadcast %broadcast_in_dim3A_77 : vector<1x28xf32> to vector<8x28xf32>
    %sub3A_161 = arith.subf %get3A_46, %sub3A_160 : vector<8x28xf32>
    %exp3A_162 = math.exp %sub3A_161 : vector<8x28xf32>
    %add3A_163 = arith.addf %add3A_149, %exp3A_162 : vector<8x28xf32>
    %iota3A_164 = tpu.iota {dimensions = array<i32: 0>} : vector<8x28xi32>
    %add3A_165 = arith.constant 48 : i32
    %add3A_166 = vector.broadcast %add3A_165 : i32 to vector<8x28xi32>
    %add3A_167 = arith.addi %iota3A_164, %add3A_166 : vector<8x28xi32>
    %eq3A_168 = vector.broadcast %broadcast_in_dim3A_78 : vector<1x28xi32> to vector<8x28xi32>
    %eq3A_169 = arith.cmpi eq, %add3A_167, %eq3A_168 : vector<8x28xi32>
    %jit3A_170 = arith.constant 0.000000e+00 : f32
    %broadcast_in_dim3A_171 = vector.broadcast %jit3A_170 : f32 to vector<8x28xf32>
    %select_n3A_172 = arith.select %eq3A_169, %get3A_46, %broadcast_in_dim3A_171 : vector<8x28xi1>, vector<8x28xf32>
    %add3A_173 = arith.addf %add3A_159, %select_n3A_172 : vector<8x28xf32>
    %sub3A_174 = vector.broadcast %broadcast_in_dim3A_77 : vector<1x28xf32> to vector<8x28xf32>
    %sub3A_175 = arith.subf %get3A_51, %sub3A_174 : vector<8x28xf32>
    %exp3A_176 = math.exp %sub3A_175 : vector<8x28xf32>
    %add3A_177 = arith.addf %add3A_163, %exp3A_176 : vector<8x28xf32>
    %iota3A_178 = tpu.iota {dimensions = array<i32: 0>} : vector<8x28xi32>
    %add3A_179 = arith.constant 56 : i32
    %add3A_180 = vector.broadcast %add3A_179 : i32 to vector<8x28xi32>
    %add3A_181 = arith.addi %iota3A_178, %add3A_180 : vector<8x28xi32>
    %eq3A_182 = vector.broadcast %broadcast_in_dim3A_78 : vector<1x28xi32> to vector<8x28xi32>
    %eq3A_183 = arith.cmpi eq, %add3A_181, %eq3A_182 : vector<8x28xi32>
    %jit3A_184 = arith.constant 0.000000e+00 : f32
    %broadcast_in_dim3A_185 = vector.broadcast %jit3A_184 : f32 to vector<8x28xf32>
    %select_n3A_186 = arith.select %eq3A_183, %get3A_51, %broadcast_in_dim3A_185 : vector<8x28xi1>, vector<8x28xf32>
    %add3A_187 = arith.addf %add3A_173, %select_n3A_186 : vector<8x28xf32>
    %sub3A_188 = vector.broadcast %broadcast_in_dim3A_77 : vector<1x28xf32> to vector<8x28xf32>
    %sub3A_189 = arith.subf %get3A_56, %sub3A_188 : vector<8x28xf32>
    %exp3A_190 = math.exp %sub3A_189 : vector<8x28xf32>
    %add3A_191 = arith.addf %add3A_177, %exp3A_190 : vector<8x28xf32>
    %iota3A_192 = tpu.iota {dimensions = array<i32: 0>} : vector<8x28xi32>
    %add3A_193 = arith.constant 64 : i32
    %add3A_194 = vector.broadcast %add3A_193 : i32 to vector<8x28xi32>
    %add3A_195 = arith.addi %iota3A_192, %add3A_194 : vector<8x28xi32>
    %eq3A_196 = vector.broadcast %broadcast_in_dim3A_78 : vector<1x28xi32> to vector<8x28xi32>
    %eq3A_197 = arith.cmpi eq, %add3A_195, %eq3A_196 : vector<8x28xi32>
    %jit3A_198 = arith.constant 0.000000e+00 : f32
    %broadcast_in_dim3A_199 = vector.broadcast %jit3A_198 : f32 to vector<8x28xf32>
    %select_n3A_200 = arith.select %eq3A_197, %get3A_56, %broadcast_in_dim3A_199 : vector<8x28xi1>, vector<8x28xf32>
    %add3A_201 = arith.addf %add3A_187, %select_n3A_200 : vector<8x28xf32>
    %sub3A_202 = vector.broadcast %broadcast_in_dim3A_77 : vector<1x28xf32> to vector<8x28xf32>
    %sub3A_203 = arith.subf %get3A_61, %sub3A_202 : vector<8x28xf32>
    %exp3A_204 = math.exp %sub3A_203 : vector<8x28xf32>
    %add3A_205 = arith.addf %add3A_191, %exp3A_204 : vector<8x28xf32>
    %iota3A_206 = tpu.iota {dimensions = array<i32: 0>} : vector<8x28xi32>
    %add3A_207 = arith.constant 72 : i32
    %add3A_208 = vector.broadcast %add3A_207 : i32 to vector<8x28xi32>
    %add3A_209 = arith.addi %iota3A_206, %add3A_208 : vector<8x28xi32>
    %eq3A_210 = vector.broadcast %broadcast_in_dim3A_78 : vector<1x28xi32> to vector<8x28xi32>
    %eq3A_211 = arith.cmpi eq, %add3A_209, %eq3A_210 : vector<8x28xi32>
    %jit3A_212 = arith.constant 0.000000e+00 : f32
    %broadcast_in_dim3A_213 = vector.broadcast %jit3A_212 : f32 to vector<8x28xf32>
    %select_n3A_214 = arith.select %eq3A_211, %get3A_61, %broadcast_in_dim3A_213 : vector<8x28xi1>, vector<8x28xf32>
    %add3A_215 = arith.addf %add3A_201, %select_n3A_214 : vector<8x28xf32>
    %reduce_sum3A = arith.constant dense<0.000000e+00> : vector<28xf32>
    %reduce_sum3A_216 = vector.multi_reduction <add>, %add3A_205, %reduce_sum3A [0] : vector<8x28xf32> to vector<28xf32>
    %sub3A_217 = arith.subf %get3A_66, %max3A_76 : vector<28xf32>
    %exp3A_218 = math.exp %sub3A_217 : vector<28xf32>
    %add3A_219 = arith.addf %reduce_sum3A_216, %exp3A_218 : vector<28xf32>
    %reduce_sum3A_220 = arith.constant dense<0.000000e+00> : vector<28xf32>
    %reduce_sum3A_221 = vector.multi_reduction <add>, %add3A_215, %reduce_sum3A_220 [0] : vector<8x28xf32> to vector<28xf32>
    %eq3A_222 = arith.constant 80 : i32
    %eq3A_223 = vector.broadcast %eq3A_222 : i32 to vector<28xi32>
    %eq3A_224 = arith.cmpi eq, %get3A_11, %eq3A_223 : vector<28xi32>
    %jit3A_225 = arith.constant 0.000000e+00 : f32
    %broadcast_in_dim3A_226 = vector.broadcast %jit3A_225 : f32 to vector<28xf32>
    %select_n3A_227 = arith.select %eq3A_224, %get3A_66, %broadcast_in_dim3A_226 : vector<28xi1>, vector<28xf32>
    %add3A_228 = arith.addf %reduce_sum3A_221, %select_n3A_227 : vector<28xf32>
    %log3A = math.log %add3A_219 : vector<28xf32>
    %add3A_229 = arith.addf %max3A_76, %log3A : vector<28xf32>
    %sub3A_230 = arith.subf %add3A_229, %add3A_228 : vector<28xf32>
    %gt3A = arith.constant 0 : i32
    %gt3A_231 = vector.broadcast %gt3A : i32 to vector<28xi32>
    %gt3A_232 = arith.cmpi sgt, %get3A_11, %gt3A_231 : vector<28xi32>
    %convert_element_type3A = arith.extui %gt3A_232 : vector<28xi1> to vector<28xi32>
    %convert_element_type3A_233 = arith.sitofp %convert_element_type3A : vector<28xi32> to vector<28xf32>
    %jit3A_234 = arith.constant 0.000000e+00 : f32
    %broadcast_in_dim3A_235 = vector.broadcast %jit3A_234 : f32 to vector<28xf32>
    %select_n3A_236 = arith.select %gt3A_232, %broadcast_in_dim3A_235, %sub3A_230 : vector<28xi1>, vector<28xf32>
    %swap3A = arith.constant 0 : index
    %swap3A_237 = arith.constant 0 : index
    %swap3A_238 = arith.constant 8704 : index
    %swap3A_239 = vector.load %arg8[%swap3A, %swap3A_237, %swap3A_238] : memref<1x1x8732xf32, #tpu.memory_space<vmem>>, vector<1x1x28xf32>
    %swap3A_240 = vector.shape_cast %swap3A_239 : vector<1x1x28xf32> to vector<28xf32>
    %swap3A_241 = vector.shape_cast %sub3A_230 : vector<28xf32> to vector<1x1x28xf32>
    tpu.vector_store %arg8[%swap3A, %swap3A_237, %swap3A_238], %swap3A_241 {strides = array<i32>} : memref<1x1x8732xf32, #tpu.memory_space<vmem>>, vector<1x1x28xf32>,
    %bitcast_convert_type3A = tpu.bitcast %select_n3A_236 : vector<28xf32> -> vector<28xi32>
    %swap3A_242 = arith.constant 0 : index
    %swap3A_243 = arith.constant 0 : index
    %swap3A_244 = arith.constant 8704 : index
    %swap3A_245 = vector.load %arg9[%swap3A_242, %swap3A_243, %swap3A_244] : memref<1x1x8732xi32, #tpu.memory_space<vmem>>, vector<1x1x28xi32>
    %swap3A_246 = vector.shape_cast %swap3A_245 : vector<1x1x28xi32> to vector<28xi32>
    %swap3A_247 = vector.shape_cast %bitcast_convert_type3A : vector<28xi32> to vector<1x1x28xi32>
    tpu.vector_store %arg9[%swap3A_242, %swap3A_243, %swap3A_244], %swap3A_247 {strides = array<i32>} : memref<1x1x8732xi32, #tpu.memory_space<vmem>>, vector<1x1x28xi32>,
    %mul3A = arith.mulf %sub3A_230, %convert_element_type3A_233 : vector<28xf32>
    %reduce_sum3A_248 = vector.shape_cast %scan3A_6#0 : vector<128xf32> to vector<1x128xf32>
    %reduce_sum3A_249 = arith.constant dense<0.000000e+00> : vector<1xf32>
    %reduce_sum3A_250 = vector.multi_reduction <add>, %reduce_sum3A_248, %reduce_sum3A_249 [1] : vector<1x128xf32> to vector<1xf32>
    %reduce_sum3A_251 = vector.shape_cast %reduce_sum3A_250 : vector<1xf32> to vector<1x1xf32>
    %reduce_sum3A_252 = vector.extract %reduce_sum3A_251[0, 0] : f32 from vector<1x1xf32>
    %reduce_sum3A_253 = vector.shape_cast %mul3A : vector<28xf32> to vector<1x28xf32>
    %reduce_sum3A_254 = arith.constant dense<0.000000e+00> : vector<1xf32>
    %reduce_sum3A_255 = vector.multi_reduction <add>, %reduce_sum3A_253, %reduce_sum3A_254 [1] : vector<1x28xf32> to vector<1xf32>
    %reduce_sum3A_256 = vector.shape_cast %reduce_sum3A_255 : vector<1xf32> to vector<1x1xf32>
    %reduce_sum3A_257 = vector.extract %reduce_sum3A_256[0, 0] : f32 from vector<1x1xf32>
    %add3A_258 = arith.addf %reduce_sum3A_252, %reduce_sum3A_257 : f32
    %reduce_sum3A_259 = vector.shape_cast %scan3A_6#1 : vector<128xf32> to vector<1x128xf32>
    %reduce_sum3A_260 = arith.constant dense<0.000000e+00> : vector<1xf32>
    %reduce_sum3A_261 = vector.multi_reduction <add>, %reduce_sum3A_259, %reduce_sum3A_260 [1] : vector<1x128xf32> to vector<1xf32>
    %reduce_sum3A_262 = vector.shape_cast %reduce_sum3A_261 : vector<1xf32> to vector<1x1xf32>
    %reduce_sum3A_263 = vector.extract %reduce_sum3A_262[0, 0] : f32 from vector<1x1xf32>
    %reduce_sum3A_264 = vector.shape_cast %convert_element_type3A_233 : vector<28xf32> to vector<1x28xf32>
    %reduce_sum3A_265 = arith.constant dense<0.000000e+00> : vector<1xf32>
    %reduce_sum3A_266 = vector.multi_reduction <add>, %reduce_sum3A_264, %reduce_sum3A_265 [1] : vector<1x28xf32> to vector<1xf32>
    %reduce_sum3A_267 = vector.shape_cast %reduce_sum3A_266 : vector<1xf32> to vector<1x1xf32>
    %reduce_sum3A_268 = vector.extract %reduce_sum3A_267[0, 0] : f32 from vector<1x1xf32>
    %add3A_269 = arith.addf %reduce_sum3A_263, %reduce_sum3A_268 : f32
    %get3A_270 = arith.constant 0 : index
    %get3A_271 = arith.constant 0 : index
    %get3A_272 = arith.constant 0 : index
    %get3A_273 = vector.load %arg4[%get3A_270, %get3A_271, %get3A_272] : memref<1x1x8732xi32, #tpu.memory_space<vmem>>, vector<1x1x8732xi32>
    %get3A_274 = vector.shape_cast %get3A_273 : vector<1x1x8732xi32> to vector<8732xi32>
    %gt3A_275 = arith.constant 0 : i32
    %gt3A_276 = vector.broadcast %gt3A_275 : i32 to vector<8732xi32>
    %gt3A_277 = arith.cmpi sgt, %get3A_274, %gt3A_276 : vector<8732xi32>
    %convert_element_type3A_278 = arith.extui %gt3A_277 : vector<8732xi1> to vector<8732xi32>
    %convert_element_type3A_279 = arith.sitofp %convert_element_type3A_278 : vector<8732xi32> to vector<8732xf32>
    %get3A_280 = arith.constant 0 : index
    %get3A_281 = arith.constant 0 : index
    %get3A_282 = arith.constant 0 : index
    %get3A_283 = vector.load %arg2[%get3A_280, %get3A_281, %get3A_282] : memref<1x4x8732xf32, #tpu.memory_space<vmem>>, vector<1x4x8732xf32>
    %get3A_284 = vector.shape_cast %get3A_283 : vector<1x4x8732xf32> to vector<4x8732xf32>
    %get3A_285 = arith.constant 0 : index
    %get3A_286 = arith.constant 0 : index
    %get3A_287 = arith.constant 0 : index
    %get3A_288 = vector.load %arg3[%get3A_285, %get3A_286, %get3A_287] : memref<1x4x8732xf32, #tpu.memory_space<vmem>>, vector<1x4x8732xf32>
    %get3A_289 = vector.shape_cast %get3A_288 : vector<1x4x8732xf32> to vector<4x8732xf32>
    %slice3A = vector.extract_strided_slice %get3A_289 {offsets = [0, 0], sizes = [2, 8732], strides = [1, 1]} : vector<4x8732xf32> to vector<2x8732xf32>
    %get3A_290 = arith.constant 0 : index
    %get3A_291 = arith.constant 0 : index
    %get3A_292 = arith.constant 0 : index
    %get3A_293 = vector.load %arg5[%get3A_290, %get3A_291, %get3A_292] : memref<1x2x8732xf32, #tpu.memory_space<vmem>>, vector<1x2x8732xf32>
    %get3A_294 = vector.shape_cast %get3A_293 : vector<1x2x8732xf32> to vector<2x8732xf32>
    %sub3A_295 = arith.subf %slice3A, %get3A_294 : vector<2x8732xf32>
    %get3A_296 = arith.constant 0 : index
    %get3A_297 = arith.constant 0 : index
    %get3A_298 = arith.constant 0 : index
    %get3A_299 = vector.load %arg6[%get3A_296, %get3A_297, %get3A_298] : memref<1x2x8732xf32, #tpu.memory_space<vmem>>, vector<1x2x8732xf32>
    %get3A_300 = vector.shape_cast %get3A_299 : vector<1x2x8732xf32> to vector<2x8732xf32>
    %mul3A_301 = arith.mulf %sub3A_295, %get3A_300 : vector<2x8732xf32>
    %slice3A_302 = vector.extract_strided_slice %get3A_289 {offsets = [2, 0], sizes = [2, 8732], strides = [1, 1]} : vector<4x8732xf32> to vector<2x8732xf32>
    %log3A_303 = math.log %slice3A_302 : vector<2x8732xf32>
    %get3A_304 = arith.constant 0 : index
    %get3A_305 = arith.constant 0 : index
    %get3A_306 = arith.constant 0 : index
    %get3A_307 = vector.load %arg7[%get3A_304, %get3A_305, %get3A_306] : memref<1x2x8732xf32, #tpu.memory_space<vmem>>, vector<1x2x8732xf32>
    %get3A_308 = vector.shape_cast %get3A_307 : vector<1x2x8732xf32> to vector<2x8732xf32>
    %sub3A_309 = arith.subf %log3A_303, %get3A_308 : vector<2x8732xf32>
    %mul3A_310 = arith.constant 5.000000e+00 : f32
    %mul3A_311 = vector.broadcast %mul3A_310 : f32 to vector<2x8732xf32>
    %mul3A_312 = arith.mulf %sub3A_309, %mul3A_311 : vector<2x8732xf32>
    %concatenate3A = tpu.concatenate %mul3A_301, %mul3A_312 in 0 : vector<2x8732xf32>, vector<2x8732xf32> -> vector<4x8732xf32>
    %sub3A_313 = arith.subf %get3A_284, %concatenate3A : vector<4x8732xf32>
    %abs3A = math.absf %sub3A_313 : vector<4x8732xf32>
    %lt3A = arith.constant 1.000000e+00 : f32
    %lt3A_314 = vector.broadcast %lt3A : f32 to vector<4x8732xf32>
    %lt3A_315 = arith.cmpf olt, %abs3A, %lt3A_314 : vector<4x8732xf32>
    %mul3A_316 = arith.constant 5.000000e-01 : f32
    %mul3A_317 = vector.broadcast %mul3A_316 : f32 to vector<4x8732xf32>
    %mul3A_318 = arith.mulf %mul3A_317, %sub3A_313 : vector<4x8732xf32>
    %mul3A_319 = arith.mulf %mul3A_318, %sub3A_313 : vector<4x8732xf32>
    %sub3A_320 = arith.constant 5.000000e-01 : f32
    %sub3A_321 = vector.broadcast %sub3A_320 : f32 to vector<4x8732xf32>
    %sub3A_322 = arith.subf %abs3A, %sub3A_321 : vector<4x8732xf32>
    %select_n3A_323 = arith.select %lt3A_315, %mul3A_319, %sub3A_322 : vector<4x8732xi1>, vector<4x8732xf32>
    %reduce_sum3A_324 = arith.constant dense<0.000000e+00> : vector<8732xf32>
    %reduce_sum3A_325 = vector.multi_reduction <add>, %select_n3A_323, %reduce_sum3A_324 [0] : vector<4x8732xf32> to vector<8732xf32>
    %mul3A_326 = arith.mulf %reduce_sum3A_325, %convert_element_type3A_279 : vector<8732xf32>
    %reduce_sum3A_327 = vector.shape_cast %mul3A_326 : vector<8732xf32> to vector<1x8732xf32>
    %reduce_sum3A_328 = arith.constant dense<0.000000e+00> : vector<1xf32>
    %reduce_sum3A_329 = vector.multi_reduction <add>, %reduce_sum3A_327, %reduce_sum3A_328 [1] : vector<1x8732xf32> to vector<1xf32>
    %reduce_sum3A_330 = vector.shape_cast %reduce_sum3A_329 : vector<1xf32> to vector<1x1xf32>
    %reduce_sum3A_331 = vector.extract %reduce_sum3A_330[0, 0] : f32 from vector<1x1xf32>
    %stack3A = vector.broadcast %reduce_sum3A_331 : f32 to vector<1xf32>
    %stack3A_332 = vector.broadcast %add3A_258 : f32 to vector<1xf32>
    %stack3A_333 = vector.broadcast %add3A_269 : f32 to vector<1xf32>
    %stack3A_334 = tpu.concatenate %stack3A, %stack3A_332, %stack3A_333 in 0 : vector<1xf32>, vector<1xf32>, vector<1xf32> -> vector<3xf32>
    %swap3A_335 = arith.constant 0 : index
    %swap3A_336 = arith.constant 0 : index
    %swap3A_337 = arith.constant 0 : index
    %swap3A_338 = vector.load %arg10[%swap3A_335, %swap3A_336, %swap3A_337] : memref<1x1x3xf32, #tpu.memory_space<vmem>>, vector<1x1x3xf32>
    %swap3A_339 = vector.shape_cast %swap3A_338 : vector<1x1x3xf32> to vector<3xf32>
    %swap3A_340 = vector.shape_cast %stack3A_334 : vector<3xf32> to vector<1x1x3xf32>
    tpu.vector_store %arg10[%swap3A_335, %swap3A_336, %swap3A_337], %swap3A_340 {strides = array<i32>} : memref<1x1x3xf32, #tpu.memory_space<vmem>>, vector<1x1x3xf32>,
    return
  }
  func.func @transform_0(%arg0: i32) -> (i32, i32, i32) {
    %c0_i32 = arith.constant 0 : i32
    %c0_i32_0 = arith.constant 0 : i32
    %c0_i32_1 = arith.constant 0 : i32
    return %arg0, %c0_i32, %c0_i32_0 : i32, i32, i32
  }
  func.func @transform_1(%arg0: i32) -> (i32, i32, i32) {
    %c0_i32 = arith.constant 0 : i32
    %c0_i32_0 = arith.constant 0 : i32
    %c0_i32_1 = arith.constant 0 : i32
    return %arg0, %c0_i32, %c0_i32_0 : i32, i32, i32
  }
  func.func @transform_2(%arg0: i32) -> (i32, i32, i32) {
    %c0_i32 = arith.constant 0 : i32
    %c0_i32_0 = arith.constant 0 : i32
    %c0_i32_1 = arith.constant 0 : i32
    return %arg0, %c0_i32, %c0_i32_0 : i32, i32, i32
  }
  func.func @transform_3(%arg0: i32) -> (i32, i32, i32) {
    %c0_i32 = arith.constant 0 : i32
    %c0_i32_0 = arith.constant 0 : i32
    %c0_i32_1 = arith.constant 0 : i32
    return %arg0, %c0_i32, %c0_i32_0 : i32, i32, i32
  }
  func.func @transform_4(%arg0: i32) -> (i32, i32, i32) {
    %c0_i32 = arith.constant 0 : i32
    %c0_i32_0 = arith.constant 0 : i32
    %c0_i32_1 = arith.constant 0 : i32
    %c0_i32_2 = arith.constant 0 : i32
    return %c0_i32, %c0_i32_0, %c0_i32_1 : i32, i32, i32
  }
  func.func @transform_5(%arg0: i32) -> (i32, i32, i32) {
    %c0_i32 = arith.constant 0 : i32
    %c0_i32_0 = arith.constant 0 : i32
    %c0_i32_1 = arith.constant 0 : i32
    %c0_i32_2 = arith.constant 0 : i32
    return %c0_i32, %c0_i32_0, %c0_i32_1 : i32, i32, i32
  }
  func.func @transform_6(%arg0: i32) -> (i32, i32, i32) {
    %c0_i32 = arith.constant 0 : i32
    %c0_i32_0 = arith.constant 0 : i32
    %c0_i32_1 = arith.constant 0 : i32
    %c0_i32_2 = arith.constant 0 : i32
    return %c0_i32, %c0_i32_0, %c0_i32_1 : i32, i32, i32
  }
  func.func @transform_7(%arg0: i32) -> (i32, i32, i32) {
    %c0_i32 = arith.constant 0 : i32
    %c0_i32_0 = arith.constant 0 : i32
    %c0_i32_1 = arith.constant 0 : i32
    return %arg0, %c0_i32, %c0_i32_0 : i32, i32, i32
  }
  func.func @transform_8(%arg0: i32) -> (i32, i32, i32) {
    %c0_i32 = arith.constant 0 : i32
    %c0_i32_0 = arith.constant 0 : i32
    %c0_i32_1 = arith.constant 0 : i32
    return %arg0, %c0_i32, %c0_i32_0 : i32, i32, i32
  }
  func.func @transform_9(%arg0: i32) -> (i32, i32, i32) {
    %c0_i32 = arith.constant 0 : i32
    %c0_i32_0 = arith.constant 0 : i32
    %c0_i32_1 = arith.constant 0 : i32
    return %arg0, %c0_i32, %c0_i32_0 : i32, i32, i32
  }
}

</mosaic_0001>

<sc_bundles>
// kernel: kernel.4.cloned.1.call-start
scs
__scs_entry_jumppad:
0x0: {  	(pc) =	sbr.rel $0x88, $3  }
0x1: {  	(tag) =	ssettag $0x0;
	lr =	simm.s32 $0x1  }
0x2: {  	[smem:$0x3F9C] =	sst lr;
	_ =	strace $0xD0000000  }
0x3: {  	_ = 	snop  }
0x4: {  	_ = 	snop  }
0x5: {  	_ = 	snop  }
0x6: {  	_ = 	snop  }
0x7: {  	_ = 	snop  }
__scs_overlays_trampoline_lowered:
0x8: {  	[smem:$0x3FAB] =	sst s0  }
0x9: {  	[smem:$0x3FAC] =	sst s1  }
0xa: {  	[smem:$0x3FAD] =	sst s2  }
0xb: {  	[smem:$0x3FAE] =	sst s3  }
0xc: {  	[smem:$0x3FAF] =	sst s4  }
0xd: {  	[smem:$0x3FB0] =	sst s5  }
0xe: {  	[smem:$0x3FB1] =	sst s6  }
0xf: {  	[smem:$0x3FB2] =	sst s7  }
0x10: {  	[smem:$0x3FB3] =	sst s8  }
0x11: {  	[smem:$0x3FB4] =	sst s9;
	s0 =	simm.s32 @!p0 $0x0  }
0x12: {  	s1 =	sld [smem:$0x3F9A];
	s0 =	simm.s32 @p0 $0x1  }
0x13: {  	[smem:$0x3FB5] =	sst s0;
	s0 =	simm.s32 @!p1 $0x0  }
0x14: {  	s2 =	sld [smem:$0x3F99];
	s0 =	simm.s32 @p1 $0x1  }
0x15: {  	[smem:$0x3FB6] =	sst s0;
	s0 =	simm.s32 @!p2 $0x0  }
0x16: {  	s3 =	sld [smem:$0x3FDB];
	s0 =	simm.s32 @p2 $0x1  }
0x17: {  	s4 =	simm.s32 $0x1BF5;
	[smem:$0x3FB8] =	sst s0  }
0x18: {  	s0 =	sld [smem:$0x3F9B];
	_ =	swait.ge [sflag:s4], $0x0  }
0x19: {  	s7 =	sld [smem:$0x3F9C]  }
0x1a: {  	s8 =	sadd.s32 $0xFFFFE003, lr  }
0x1b: {  	s9 =	sadd.s32 $0xFFFFFEF7, lr;
	s5 =	simm.s32 $0xFFFFFFFF;
	p2 =	slt.u32 s8, $0xFFFFF086  }
0x1c: {  	p1 =	slt.u32 s9, $0xF7A;
	s5 =	simm.s32 @!p2 $0x0  }
0x1d: {  	s5 =	simm.s32 @p1 $0x1;
	p0 =	seq.s32 s7, s2  }
0x1e: {  	s7 =	smul.u32 @!p0 $0xF7A, s2;
	p2 =	seq.s32 @!p0 s5, $0x0  }
0x1f: {  	s9 =	smul.u32 $0xF7A, s1;
	s8 =	simm.s32 @!p0 $0x1BF5;
	p2 =	por !p2, p0  }
0x20: {  	[sflag:s8] =	ssyncset.s32 @!p0 $0xFFFFF086;
	s6 =	sadd.s32 @!p0 s3, s7;
	s7 =	simm.s32 @!p0 $0x108  }
0x21: {  	s3 =	sadd.s32 s3, s9;
	s6 =	sadd.s32 @!p0 $0x88, s6;
	s7 =	simm.s32 @p2 $0x1082  }
0x22: {  	[simem:s7], [sflag:s8] =	dma.local @!p0 [hbm:s6], $0xF7A  }
0x23: {  	s9 =	sor.u32 $0xD0000000, s2;
	s6 =	simm.s32 $0x108;
	_ =	swait.ge @!p0 [sflag:s8], $0x0  }
0x24: {  	s3 =	sadd.s32 $0x88, s3;
	s6 =	simm.s32 @!p1 $0x1082;
	[sflag:s4] =	ssyncset.s32 $0xFFFFF086  }
0x25: {  	[simem:s6], [sflag:s4] =	dma.local [hbm:s3], $0xF7A  }
0x26: {  	[smem:$0x3F9C] =	sst s1;
	(tag) =	ssettag s2;
	_ =	strace s9  }
0x27: {  	s1 =	sld [smem:$0x3FAC]  }
0x28: {  	s2 =	sld [smem:$0x3FAD]  }
0x29: {  	s4 =	sld [smem:$0x3FAF]  }
0x2a: {  	p0 =	seq.s32 s5, $0x0;
	s5 =	sld [smem:$0x3FB0]  }
0x2b: {  	s6 =	sld [smem:$0x3FB1]  }
0x2c: {  	s7 =	sld [smem:$0x3FB2]  }
0x2d: {  	s3 =	simm.s32 $0x108;
	s8 =	sld [smem:$0x3FB3]  }
0x2e: {  	s3 =	simm.s32 @!p0 $0x1082;
	s9 =	sld [smem:$0x3FB4]  }
0x2f: {  	lr =	sadd.s32 s0, s3;
	s0 =	sld [smem:$0x3FAB]  }
0x30: {  	s3 =	sld [smem:$0x3FAE]  }
0x31: {  	[smem:$0x3FB7] =	sst s10  }
0x32: {  	s10 =	sld [smem:$0x3FB5];
	_ =	sdelay $0x3  }
0x33: {  	p0 =	seq.s32 s10, $0x1;
	s10 =	sld [smem:$0x3FB7];
	_ =	sdelay $0x3  }
0x34: {  	[smem:$0x3FB7] =	sst s10  }
0x35: {  	s10 =	sld [smem:$0x3FB6];
	_ =	sdelay $0x3  }
0x36: {  	p1 =	seq.s32 s10, $0x1;
	s10 =	sld [smem:$0x3FB7];
	_ =	sdelay $0x3  }
0x37: {  	[smem:$0x3FB7] =	sst s10  }
0x38: {  	s10 =	sld [smem:$0x3FB8]  }
0x39: {  	_ = 	snop;
	(pc) =	sbr.ind lr, $3  }
0x3a: {  	_ = 	snop  }
0x3b: {  	_ = 	snop  }
0x3c: {  	p2 =	seq.s32 s10, $0x1;
	s10 =	sld [smem:$0x3FB7]  }
0x3d: {  	_ =	shalt  }
0x3e: {  	_ =	shalt  }
0x3f: {  	_ =	shalt  }
0x40: {  	_ =	shalt  }
0x41: {  	_ =	shalt  }
0x42: {  	_ =	shalt  }
0x43: {  	_ =	shalt  }
0x44: {  	_ =	shalt  }
0x45: {  	_ =	shalt  }
0x46: {  	_ =	shalt  }
0x47: {  	_ =	shalt  }
0x48: {  	_ =	shalt  }
0x49: {  	_ =	shalt  }
0x4a: {  	_ =	shalt  }
0x4b: {  	_ =	shalt  }
0x4c: {  	_ =	shalt  }
0x4d: {  	_ =	shalt  }
0x4e: {  	_ =	shalt  }
0x4f: {  	_ =	shalt  }
0x50: {  	_ =	shalt  }
0x51: {  	_ =	shalt  }
0x52: {  	_ =	shalt  }
0x53: {  	_ =	shalt  }
0x54: {  	_ =	shalt  }
0x55: {  	_ =	shalt  }
0x56: {  	_ =	shalt  }
0x57: {  	_ =	shalt  }
0x58: {  	_ =	shalt  }
0x59: {  	_ =	shalt  }
0x5a: {  	_ =	shalt  }
0x5b: {  	_ =	shalt  }
0x5c: {  	_ =	shalt  }
0x5d: {  	_ =	shalt  }
0x5e: {  	_ =	shalt  }
0x5f: {  	_ =	shalt  }
0x60: {  	_ =	shalt  }
0x61: {  	_ =	shalt  }
0x62: {  	_ =	shalt  }
0x63: {  	_ =	shalt  }
0x64: {  	_ =	shalt  }
0x65: {  	_ =	shalt  }
0x66: {  	_ =	shalt  }
0x67: {  	_ =	shalt  }
0x68: {  	_ =	shalt  }
0x69: {  	_ =	shalt  }
0x6a: {  	_ =	shalt  }
0x6b: {  	_ =	shalt  }
0x6c: {  	_ =	shalt  }
0x6d: {  	_ =	shalt  }
0x6e: {  	_ =	shalt  }
0x6f: {  	_ =	shalt  }
0x70: {  	_ =	shalt  }
0x71: {  	_ =	shalt  }
0x72: {  	_ =	shalt  }
0x73: {  	_ =	shalt  }
0x74: {  	_ =	shalt  }
0x75: {  	_ =	shalt  }
0x76: {  	_ =	shalt  }
0x77: {  	_ =	shalt  }
0x78: {  	_ =	shalt  }
0x79: {  	_ =	shalt  }
0x7a: {  	_ =	shalt  }
0x7b: {  	_ =	shalt  }
0x7c: {  	_ =	shalt  }
0x7d: {  	_ =	shalt  }
0x7e: {  	_ =	shalt  }
0x7f: {  	_ =	shalt  }
0x80: {  	_ =	shalt  }
0x81: {  	_ =	shalt  }
0x82: {  	_ =	shalt  }
0x83: {  	_ =	shalt  }
0x84: {  	_ =	shalt  }
0x85: {  	_ =	shalt  }
0x86: {  	_ =	shalt  }
0x87: {  	_ =	shalt  }
.Lfunc_end0:
.L_simem_size_0:
called_computation_lowered:
.L_overlay_start_0:
0x88: {  	s2 =	sld [smem:$0x3FD9]  }
0x89: {  	s3 =	sld [smem:$0x3FFE];
	_ =	sdelay $0x1  }
0x8a: {  	s1 =	srdreg.scid  }
0x8b: {  	s0 =	sand.u32 $0x1, s1  }
0x8c: {  	s16 =	sshll.u32 s0, $0xA;
	s2 =	sadd.s32 s3, s2  }
0x8d: {  	s2 =	sadd.s32 s2, s16  }
0x8e: {  	[smem:$0x3FC3] =	sst s2  }
0x8f: {  	_ = 	snop  }
0x90: {  	(tm) =	ssettm $0x1  }
0x91: {  	s17 =	sld [smem:$0x3FFB];
	_ =	sdelay $0x3  }
0x92: {  	_ =	strace s17  }
0x93: {  	s2 =	sld [smem:$0x3FFC];
	_ =	sdelay $0x3  }
0x94: {  	_ =	strace s2  }
0x95: {  	s2 =	sld [smem:$0x3FFD];
	_ =	sdelay $0x3  }
0x96: {  	_ =	strace s2  }
0x97: {  	_ =	strace $0x8FFFFFFF  }
0x98: {  	s18 =	sld [smem:$0x3FDB];
	_ =	sdelay $0x1  }
0x99: {  	s19 =	simm.s32 $_scs_section_size  }
0x9a: {  	s4 =	simm.s32 $_size__tile_overlayer_lowered;
	s5 =	simm.s32 $_tile_overlayer_lowered  }
0x9b: {  	s22 =	simm.s32 $0x1BFF;
	s21 =	sshll.u32 s5, $0x1;
	s2 =	sadd.s32 s19, s18  }
0x9c: {  	s6 =	simm.s32 $0x0;
	s20 =	sshll.u32 s4, $0x1;
	s4 =	sadd.s32 s21, s2  }
0x9d: {  	[timem:s6], [sflag:s22] =	dma.local [hbm:s4], s20  }
0x9e: {  	_ =	swait.ge [sflag:s22], s20  }
0x9f: {  	s3 =	ssub.s32 $0x0, s20;
	[sflag:s22] =	ssyncset.done $0x0  }
0xa0: {  	[sflag:s22] =	ssyncadd.s32 s3;
	_ =	sdelay $0x1  }
0xa1: {  	s23 =	simm.s32 $0x1B8B  }
0xa2: {  	_ =	swait.ge [sflag:s23], $0x1  }
0xa3: {  	[sflag:s23] =	ssyncset.done $0x0  }
0xa4: {  	s25 =	simm.s32 $0x1B8E;
	s24 =	sld [smem:$0x3FFE];
	[sflag:s23] =	ssyncadd.s32 $0xFFFFFFFF  }
0xa5: {  	s26 =	simm.s32 $execute0_lowered;
	[smem:$0x3FD2] =	sst s25  }
0xa6: {  	s4 =	sshll.u32 s26, $0x1;
	_ =	strace $0x80000046;
	[dreg:$0x1] =	wrdreg $0xFFFFFFFF  }
0xa7: {  	s28 =	simm.s32 $_size_execute0_lowered;
	s2 =	sadd.s32 s2, s4;
	[dreg:$0x0] =	wrdreg $0x0  }
0xa8: {  	s4 =	sshll.u32 s28, $0x1;
	[dreg:$0x2] =	wrdreg s2  }
0xa9: {  	[dreg:$0x3] =	wrdreg s4  }
0xaa: {  	[dreg:$0x4] =	wrdreg $0xC0  }
0xab: {  	_ =	task [dreg:s6], $0x5FFFF  }
0xac: {  	[dreg:$0x1] =	wrdreg $0xFFFFFFFF  }
0xad: {  	[dreg:$0x0] =	wrdreg $0x60  }
0xae: {  	[dreg:$0x2] =	wrdreg s24  }
0xaf: {  	[dreg:$0x3] =	wrdreg $0x9  }
0xb0: {  	_ =	task.clear_ibuf [dreg:s6], $0x4FFFF;
	_ =	strace $0x90000046  }
0xb1: {  	s29 =	simm.s32 $0x9;
	_ =	strace $0x80000048  }
0xb2: {  	_ =	swait.ge [sflag:s29], $0x1  }
0xb3: {  	[sflag:s29] =	ssyncadd.s32 $0xFFFFFFFF  }
0xb4: {  	_ =	strace $0x90000048  }
0xb5: {  	_ =	sfence  }
0xb6: {  	s30 =	sld [smem:$0x0];
	_ =	sdelay $0x2  }
0xb7: {  	s31 =	sshll.u32 s1, $0xD;
	s1 =	sshrl.u32 s1, $0x2  }
0xb8: {  	s3 =	sand.u32 $0x4000, s31;
	s1 =	sadd.s32 s1, s30  }
0xb9: {  	s0 =	sor.u32 s3, s0;
	s1 =	sshll.u32 s1, $0x11  }
0xba: {  	s0 =	sor.u32 s1, s0  }
0xbb: {  	s0 =	sadd.s32 $0x8F2B, s0  }
0xbc: {  	[sflag:s0] =	ssyncadd.remote.s32 $0x1  }
0xbd: {  	_ =	sfence.sel $0xFFFF  }
0xbe: {  	[dreg:$0x0] =	wrdreg $0xFFFFFFFF;
	(pc) =	sbr.abs _section_cstart, $3  }
0xbf: {  	[dreg:$0x1] =	wrdreg $0xFFFFFFFF  }
0xc0: {  	_ =	task.clear_ibuf [dreg:s6], $0x2FFFF;
	_ =	strace $0x9FFFFFFF  }
0xc1: {  	(tm) =	ssettm $0x7FFFFFFF  }
tec
execute0_lowered:
.L_overlay_start_1:
0x0: {  	(tag) =	ssettag $0x1  }
0x1: {  	s7 =	rddreg [dreg:$0x0]  }
0x2: {  	s0 =	rddreg [dreg:$0x1];
	s2 =	simm.s32 $0x0;
	s3 =	srdreg.scid  }
0x3: {  	s1 =	stileid.u32;
	s15 =	simm.s32 $0x0;
	[smem:$0x7FF] =	sst s2  }
0x4: {  	s3 =	sand.u32 $0x1, s3;
	s4 =	sshll.u32 s1, $0x9;
	s5 =	sshrl.u32 s1, $0x1  }
0x5: {  	s9 =	sadd.s32 $0x11400, s7;
	s10 =	sadd.s32 $0x22800, s7;
	s11 =	sadd.s32 $0x22C00, s7  }
0x6: {  	s6 =	sshll.u32 s3, $0x8;
	s4 =	sand.u32 $0x200, s4;
	s8 =	smul.u32 $0x11400, s5  }
0x7: {  	_ =	strace $0x80000047;
	s3 =	ssub.s32 $0x2, s3;
	s6 =	sor.u32 s6, s4  }
0x8: {  	s13 =	sshll.u32 s5, $0xA;
	s12 =	sshrl.u32 s3, $0x1;
	s4 =	sor.u32 s8, s6  }
0x9: {  	s12 =	ssub.s32 s3, s12;
	s5 =	sor.u32 s13, s6;
	s6 =	sor.u32 $0x80, s6  }
0xa: {  	s4 =	sshrl.u32 s4, $0x3;
	s14 =	sshrl.u32 s5, $0x3;
	s8 =	sor.u32 s8, s6  }
0xb: {  	s13 =	sor.u32 s13, s6;
	s3 =	sadd.s32 s7, s4;
	s4 =	sadd.s32 s9, s4  }
0xc: {  	s5 =	sadd.s32 s10, s14;
	s6 =	sadd.s32 s11, s14;
	s8 =	sshrl.u32 s8, $0x3  }
0xd: {  	s13 =	sshrl.u32 s13, $0x3;
	s14 =	simm.s32 $0x8A80;
	s7 =	sadd.s32 s7, s8  }
0xe: {  	s8 =	sadd.s32 s9, s8;
	s9 =	sadd.s32 s10, s13;
	s10 =	sadd.s32 s11, s13  }
0xf: {  	v0 =	vimm.s32 $0x0;
	s11 =	smax.u32 s12, $0x1;
	s12 =	simm.s32 $0x1;
	s13 =	simm.s32 $0x8A00  }
.LBB2_1:
0x10: {  	s16 =	simm.s32 $0x80  }
0x11: {  	s19 =	sadd.s32 $0x0, s3;
	s17 =	simm.s32 $0x100;
	s18 =	simm.s32 $0x0  }
.LBB2_2:
0x12: {  	[tilespmem:s18], [sflag:$0x1] =	stream.linear.gather [hbm4b:s19+s2], $0x80, $0x38;
	[tilespmem:$0x8B00] =	vst v63  }
0x13: {  	s19 =	smov.u32 s16;
	s18 =	smov.u32 s17;
	p0 =	sne.s32 s16, $0x2200  }
.Ltmp0:
0x14: {  	s16 =	sadd.s32 $0x80, s16;
	(pc) =	sbr.rel @p0 .LBB2_2-.Ltmp0, $2  }
0x15: {  	_ =	sdelay $0x2  }
0x16: {  	s17 =	sadd.s32 $0x100, s17;
	s19 =	sadd.s32 s19, s3  }
0x17: {  	[tilespmem:s18], [sflag:$0x1] =	stream.linear.gather [hbm4b:s19+s2], $0x80, $0x38;
	[tilespmem:$0x8B00] =	vst v63  }
0x18: {  	_ =	swait.ge [sflag:s12], $0x2280  }
0x19: {  	s16 =	simm.s32 $0x4500;
	s17 =	simm.s32 $0x80;
	[sflag:s12] =	ssyncset.done $0x0  }
0x1a: {  	s19 =	sadd.s32 $0x0, s4;
	s18 =	simm.s32 $0x4600;
	[sflag:s12] =	ssyncadd.s32 $0xFFFFDD80  }
.LBB2_4:
0x1b: {  	[tilespmem:s16], [sflag:$0x1] =	stream.linear.gather [hbm4b:s19+s2], $0x80, $0x38;
	[tilespmem:$0x8B00] =	vst v63  }
0x1c: {  	s19 =	smov.u32 s17;
	s16 =	smov.u32 s18;
	p0 =	sne.s32 s17, $0x2200  }
.Ltmp1:
0x1d: {  	s17 =	sadd.s32 $0x80, s17;
	(pc) =	sbr.rel @p0 .LBB2_4-.Ltmp1, $2  }
0x1e: {  	_ =	sdelay $0x2  }
0x1f: {  	s18 =	sadd.s32 $0x100, s18;
	s19 =	sadd.s32 s19, s4  }
0x20: {  	[tilespmem:s16], [sflag:$0x1] =	stream.linear.gather [hbm4b:s19+s2], $0x80, $0x38;
	[tilespmem:$0x8B00] =	vst v63  }
0x21: {  	_ =	swait.ge [sflag:s12], $0x2280  }
0x22: {  	[sflag:s12] =	ssyncset.done $0x0  }
0x23: {  	s16 =	simm.s32 $0x0;
	[sflag:s12] =	ssyncadd.s32 $0xFFFFDD80  }
0x24: {  	[tilespmem:s13], [sflag:$0x1] =	stream.linear.gather [hbm4b:s5+s16], $0x80, $0x38;
	[tilespmem:$0x8B00] =	vst v63  }
0x25: {  	_ =	swait.ge [sflag:s12], $0x80  }
0x26: {  	[sflag:s12] =	ssyncset.done $0x0  }
0x27: {  	s17 =	sand.u32 $0x70, s16;
	s18 =	sand.u32 $0x7F00, s16;
	[sflag:s12] =	ssyncadd.s32 $0xFFFFFF80  }
0x28: {  	s18 =	sor.u32 s17, s18;
	v2 =	vld [tilespmem:$0x8A00]  }
0x29: {  	v4 =	vld [tilespmem:s18+$0x0]  }
0x2a: {  	v1 =	vimm.s32 $0x0;
	v3 =	vimm.f32 $0.0e+00;
	s17 =	simm.s32 $0x10;
	v5 =	vld [tilespmem:s18+$0x4500]  }
.LBB2_6:
0x2b: {  	p0 =	sne.s32 s17, $0x2210  }
.Ltmp2:
0x2c: {  	s18 =	sand.u32 $0x70, s17;
	s16 =	sadd.s32 $0x20, s16;
	(pc) =	sbr.rel @p0 .LBB2_6-.Ltmp2, $4  }
0x2d: {  	s17 =	sadd.s32 $0x10, s17;
	s19 =	sand.u32 $0x7F00, s16  }
0x2e: {  	s18 =	sor.u32 s18, s19;
	vm0 =	vgt.s32 v4, $0x0  }
0x2f: {  	v4 =	vld [tilespmem:s18+$0x0];
	v6 =	vsel vm0, $0x1, v0;
	v7 =	vnsel vm0, $0x0, v5  }
0x30: {  	v5 =	vld [tilespmem:s18+$0x4500];
	v1 =	vadd.s32 v6, v1;
	v3 =	vadd.f32 v7, v3  }
0x31: {  	_ =	sdelay $0x2  }
0x32: {  	vm0 =	vgt.s32 v4, $0x0  }
0x33: {  	v4 =	vnsel vm0, $0x0, v5  }
0x34: {  	v3 =	vadd.f32 v4, v3;
	_ =	sdelay $0x1  }
0x35: {  	(xrf2) =	vadd.scan.msk.f32 $0xffff, v3  }
0x36: {  	v3 =	vsel vm0, $0x1, v0  }
0x37: {  	v1 =	vadd.s32 v3, v1  }
0x38: {  	(xrf0) =	vadd.scan.msk.s32 $0xffff, v1  }
0x39: {  	v1 =	vxor.u32 $0x80000000, v2  }
0x3a: {  	(xrf0) =	vmax.scan.msk.u32 $0xffff, v1;
	_ =	sdelay $0x3  }
0x3b: {  	v1, _, _ =	vpop (xrf0)  }
0x3c: {  	(v2sf) =	vpush v1, $0xF;
	v1, _, _ =	vpop (xrf2)  }
0x3d: {  	(v2sf) =	vpush v1, $0xF;
	v1, _, _ =	vpop (xrf0)  }
0x3e: {  	(v2sf) =	vpush v1, $0xF;
	_ =	sdelay $0xc  }
0x3f: {  	s18 =	spop (v2sf)  }
0x40: {  	s16 =	spop (v2sf)  }
0x41: {  	s17 =	spop (v2sf)  }
0x42: {  	s17 =	sxor.u32 $0x80000000, s17  }
0x43: {  	p0 =	slt.s32 s18, s17  }
.Ltmp3:
0x44: {  	_ = 	snop;
	(pc) =	sbr.rel @p0 .LBB2_15-.Ltmp3, $2  }
0x45: {  	_ =	sdelay $0x2  }
0x46: {  	v3 =	vimm.s32 $0x0;
	v1 =	vimm.s32 $0x0  }
0x47: {  	s16 =	simm.s32 $0x0;
	v3 =	vimm.s32 $0x1;
	v4 =	vimm.s32 $0x7F800000;
	s17 =	simm.s32 $0x0  }
.LBB2_9:
0x48: {  	s18 =	sand.u32 $0x70, s16;
	s19 =	sand.u32 $0x7F00, s16  }
0x49: {  	v5 =	vsub.s32 v4, v3;
	s19 =	sor.u32 s18, s19  }
0x4a: {  	v5 =	vshrl.u32 v5, $0x1;
	v7 =	vld [tilespmem:s19+$0x0]  }
0x4b: {  	v6 =	vimm.s32 $0x0;
	s18 =	simm.s32 $0x10;
	v5 =	vadd.s32 v3, v5;
	s19 =	simm.s32 $0x0  }
.LBB2_10:
0x4c: {  	p0 =	sne.s32 s18, $0x2210  }
.Ltmp4:
0x4d: {  	s20 =	sand.u32 $0x70, s18;
	s19 =	sadd.s32 $0x20, s19;
	(pc) =	sbr.rel @p0 .LBB2_10-.Ltmp4, $4  }
0x4e: {  	s18 =	sadd.s32 $0x10, s18;
	s21 =	sand.u32 $0x7F00, s19  }
0x4f: {  	s20 =	sor.u32 s20, s21;
	vm0 =	vge.s32 v7, v5  }
0x50: {  	v7 =	vld [tilespmem:s20+$0x0];
	v8 =	vsel vm0, $0x1, v0  }
0x51: {  	v6 =	vadd.s32 v8, v6  }
0x52: {  	_ =	sdelay $0x2  }
0x53: {  	vm0 =	vge.s32 v7, v5  }
0x54: {  	v7 =	vsel vm0, $0x1, v0  }
0x55: {  	v6 =	vadd.s32 v7, v6  }
0x56: {  	(xrf0) =	vadd.scan.msk.s32 $0xffff, v6;
	_ =	sdelay $0x3  }
0x57: {  	s17 =	sadd.s32 $0x1, s17  }
0x58: {  	p0 =	sne.s32 s17, $0x1F  }
.Ltmp5:
0x59: {  	v6, _, _ =	vpop (xrf0);
	(pc) =	sbr.rel @p0 .LBB2_9-.Ltmp5, $3  }
0x5a: {  	v6 =	vbroadcast v6, $0xF;
	_ =	sdelay $0x1  }
0x5b: {  	vm15 =	vlt.s32 v6, v2  }
0x5c: {  	v3 =	vsel vm15, v3, v5;
	v4 =	vsel vm15, v5, v4  }
0x5d: {  	s16 =	simm.s32 $0x0  }
0x5e: {  	s17 =	sand.u32 $0x70, s16;
	s18 =	sand.u32 $0x7F00, s16  }
0x5f: {  	s18 =	sor.u32 s17, s18  }
0x60: {  	v6 =	vld [tilespmem:s18+$0x0]  }
0x61: {  	v4 =	vimm.s32 $0x0;
	v5 =	vimm.f32 $0.0e+00;
	s17 =	simm.s32 $0x10;
	v7 =	vld [tilespmem:s18+$0x4500]  }
.LBB2_13:
0x62: {  	p0 =	sne.s32 s17, $0x2210  }
.Ltmp6:
0x63: {  	s18 =	sand.u32 $0x70, s17;
	s16 =	sadd.s32 $0x20, s16;
	(pc) =	sbr.rel @p0 .LBB2_13-.Ltmp6, $4  }
0x64: {  	s17 =	sadd.s32 $0x10, s17;
	s19 =	sand.u32 $0x7F00, s16  }
0x65: {  	s18 =	sor.u32 s18, s19;
	vm0 =	vgt.s32 v6, v3  }
0x66: {  	v6 =	vld [tilespmem:s18+$0x0];
	v8 =	vsel vm0, $0x1, v0;
	v9 =	vnsel vm0, $0x0, v7  }
0x67: {  	v7 =	vld [tilespmem:s18+$0x4500];
	v4 =	vadd.s32 v8, v4;
	v5 =	vadd.f32 v9, v5  }
0x68: {  	_ =	sdelay $0x2  }
0x69: {  	vm0 =	vgt.s32 v6, v3  }
0x6a: {  	v6 =	vnsel vm0, $0x0, v7  }
0x6b: {  	v5 =	vadd.f32 v6, v5;
	_ =	sdelay $0x1  }
0x6c: {  	(xrf2) =	vadd.scan.msk.f32 $0xffff, v5  }
0x6d: {  	v5 =	vsel vm0, $0x1, v0  }
0x6e: {  	v4 =	vadd.s32 v5, v4  }
0x6f: {  	(xrf0) =	vadd.scan.msk.s32 $0xffff, v4;
	_ =	sdelay $0x5  }
0x70: {  	v4, _, _ =	vpop (xrf0)  }
0x71: {  	(v2sf) =	vpush v4, $0xF;
	v4, _, _ =	vpop (xrf2)  }
0x72: {  	(v2sf) =	vpush v4, $0xF;
	_ =	sdelay $0xd  }
0x73: {  	s18 =	spop (v2sf)  }
0x74: {  	s16 =	spop (v2sf)  }
.LBB2_15:
0x75: {  	s17 =	simm.s32 $0x0  }
0x76: {  	s19 =	sand.u32 $0x70, s17;
	s17 =	sand.u32 $0x7F00, s17  }
0x77: {  	s20 =	sor.u32 s19, s17  }
0x78: {  	v4 =	vld [tilespmem:s20+$0x0];
	_ =	sdelay $0x2  }
0x79: {  	s29 =	simm.s32 $0x10;
	s30 =	simm.s32 $0x20  }
0x7a: {  	s17 =	sand.u32 $0x70, s29;
	s19 =	sand.u32 $0x7F00, s30  }
0x7b: {  	s17 =	sor.u32 s17, s19;
	vm0 =	veq.s32 v4, v3  }
0x7c: {  	v5 =	vld [tilespmem:s17+$0x0];
	v4 =	vsel vm0, $0x1, v0  }
0x7d: {  	(xrf0) =	vadd.scan.msk.s32 $0xffff, v4;
	_ =	sdelay $0x2  }
0x7e: {  	s31 =	simm.s32 $0x20;
	s19 =	simm.s32 $0x40  }
0x7f: {  	s21 =	sand.u32 $0x7F00, s19;
	vm1 =	veq.s32 v5, v3;
	v4 =	vmov s18;
	s18 =	sand.u32 $0x70, s31  }
0x80: {  	v5 =	vld [tilespmem:s20+$0x4500];
	v6 =	vsel vm1, $0x1, v0;
	s18 =	sor.u32 s18, s21  }
0x81: {  	vm0 =	vmmov vm0;
	v7, _, _ =	vpop (xrf0);
	(xrf0) =	vadd.scan.msk.s32 $0xffff, v6;
	v6 =	vld [tilespmem:s18+$0x0]  }
0x82: {  	vm0 =	vmmov vm0;
	vm1 =	vmmov vm1  }
0x83: {  	s20 =	simm.s32 $0x30;
	v2 =	vsub.s32 v2, v4;
	v4 =	vimm.f32 $0.0e+00;
	v7 =	vadd.s32 v1, v7  }
.LBB2_16:
0x84: {  	s21 =	sand.u32 $0x70, s20;
	s19 =	sadd.s32 $0x20, s19;
	vm2 =	vle.s32 v7, v2;
	p0 =	sne.s32 s20, $0x2210  }
.Ltmp7:
0x85: {  	s20 =	sadd.s32 $0x10, s20;
	s22 =	sand.u32 $0x7F00, s19;
	vm2 =	vmand vm0, vm2;
	(pc) =	sbr.rel @p0 .LBB2_16-.Ltmp7, $4  }
0x86: {  	v8 =	vmpcnt.ones.xlane vm0;
	vm3 =	veq.s32 v6, v3;
	v10 =	vnsel vm2, $0x0, v5;
	v5 =	vld [tilespmem:s17+$0x4500];
	s17 =	smov.u32 s18;
	s18 =	sor.u32 s21, s22  }
0x87: {  	vm0 =	vmmov vm1;
	v6 =	vld [tilespmem:s18+$0x0];
	v9 =	vsel vm3, $0x1, v0;
	v4 =	vadd.f32 v10, v4  }
0x88: {  	v1 =	vadd.s32 v1, v8;
	vm1 =	vmmov vm3;
	(xrf0) =	vadd.scan.msk.s32 $0xffff, v9;
	v7, _, _ =	vpop (xrf0)  }
0x89: {  	v7 =	vadd.s32 v1, v7  }
0x8a: {  	_ =	sdelay $0x1  }
0x8b: {  	vm2 =	veq.s32 v6, v3  }
0x8c: {  	v3 =	vsel vm2, $0x1, v0  }
0x8d: {  	(xrf0) =	vadd.scan.msk.s32 $0xffff, v3;
	v3 =	vmpcnt.ones.xlane vm0  }
0x8e: {  	vm1 =	vmmov vm1  }
0x8f: {  	v1 =	vadd.s32 v1, v3;
	v3 =	vmpcnt.ones.xlane vm1  }
0x90: {  	vm3 =	vle.s32 v7, v2;
	v62 =	vld [tilespmem:s17+$0x4500]  }
0x91: {  	vm12 =	vmand vm0, vm3;
	v63, _, _ =	vpop (xrf0)  }
0x92: {  	v8 =	vld [tilespmem:s18+$0x4500];
	v5 =	vnsel vm12, $0x0, v5;
	v7 =	vadd.s32 v1, v63  }
0x93: {  	v4 =	vadd.f32 v5, v4;
	vm13 =	vle.s32 v7, v2;
	v1 =	vadd.s32 v1, v3;
	v3, _, _ =	vpop (xrf0)  }
0x94: {  	vm2 =	vmmov vm2;
	vm0 =	vmand vm1, vm13;
	v1 =	vadd.s32 v1, v3  }
0x95: {  	vm14 =	vmmov vm2;
	v3 =	vnsel vm0, $0x0, v62;
	vm15 =	vle.s32 v1, v2  }
0x96: {  	v1 =	vadd.f32 v3, v4;
	vm0 =	vmand vm14, vm15  }
0x97: {  	v2 =	vnsel vm0, $0x0, v8  }
0x98: {  	v1 =	vadd.f32 v2, v1;
	_ =	sdelay $0x1  }
0x99: {  	(xrf2) =	vadd.scan.msk.f32 $0xffff, v1;
	_ =	sdelay $0x9  }
0x9a: {  	v1, _, _ =	vpop (xrf2)  }
0x9b: {  	(v2sf) =	vpush v1, $0xF;
	_ =	sdelay $0xe  }
0x9c: {  	s30 =	spop (v2sf)  }
0x9d: {  	s16 =	sadd.f32 s30, s16;
	_ =	sdelay $0x1  }
0x9e: {  	v1 =	vmov s16  }
0x9f: {  	s31 =	simm.s32 $0x0;
	[tilespmem:$0x8A80] =	vst v1  }
0xa0: {  	[hbm4b:s6+s31] =	stream.linear.scatter [tilespmem:s14], [sflag:$0x1], $0x80, $0x38;
	[tilespmem:$0x8B00] =	vst v63  }
0xa1: {  	_ =	swait.ge [sflag:s12], $0x80  }
0xa2: {  	s17 =	simm.s32 $0x80;
	s19 =	sadd.s32 $0x0, s7;
	[sflag:s12] =	ssyncset.done $0x0  }
0xa3: {  	s18 =	simm.s32 $0x180;
	s16 =	simm.s32 $0x80;
	[sflag:s12] =	ssyncadd.s32 $0xFFFFFF80  }
.LBB2_18:
0xa4: {  	[tilespmem:s16], [sflag:$0x1] =	stream.linear.gather [hbm4b:s19+s2], $0x80, $0x38;
	[tilespmem:$0x8B00] =	vst v63  }
0xa5: {  	s19 =	smov.u32 s17;
	s16 =	smov.u32 s18;
	p0 =	sne.s32 s17, $0x2200  }
.Ltmp8:
0xa6: {  	s17 =	sadd.s32 $0x80, s17;
	(pc) =	sbr.rel @p0 .LBB2_18-.Ltmp8, $2  }
0xa7: {  	_ =	sdelay $0x2  }
0xa8: {  	s18 =	sadd.s32 $0x100, s18;
	s19 =	sadd.s32 s19, s7  }
0xa9: {  	[tilespmem:s16], [sflag:$0x1] =	stream.linear.gather [hbm4b:s19+s2], $0x80, $0x38;
	[tilespmem:$0x8B00] =	vst v63  }
0xaa: {  	_ =	swait.ge [sflag:s12], $0x2280  }
0xab: {  	s16 =	simm.s32 $0x4580;
	s17 =	simm.s32 $0x80;
	[sflag:s12] =	ssyncset.done $0x0  }
0xac: {  	s19 =	sadd.s32 $0x0, s8;
	s18 =	simm.s32 $0x4680;
	[sflag:s12] =	ssyncadd.s32 $0xFFFFDD80  }
.LBB2_20:
0xad: {  	[tilespmem:s16], [sflag:$0x1] =	stream.linear.gather [hbm4b:s19+s2], $0x80, $0x38;
	[tilespmem:$0x8B00] =	vst v63  }
0xae: {  	s19 =	smov.u32 s17;
	s16 =	smov.u32 s18;
	p0 =	sne.s32 s17, $0x2200  }
.Ltmp9:
0xaf: {  	s17 =	sadd.s32 $0x80, s17;
	(pc) =	sbr.rel @p0 .LBB2_20-.Ltmp9, $2  }
0xb0: {  	_ =	sdelay $0x2  }
0xb1: {  	s18 =	sadd.s32 $0x100, s18;
	s19 =	sadd.s32 s19, s8  }
0xb2: {  	[tilespmem:s16], [sflag:$0x1] =	stream.linear.gather [hbm4b:s19+s2], $0x80, $0x38;
	[tilespmem:$0x8B00] =	vst v63  }
0xb3: {  	_ =	swait.ge [sflag:s12], $0x2280  }
0xb4: {  	[sflag:s12] =	ssyncset.done $0x0  }
0xb5: {  	s16 =	simm.s32 $0x0;
	[sflag:s12] =	ssyncadd.s32 $0xFFFFDD80  }
0xb6: {  	[tilespmem:s13], [sflag:$0x1] =	stream.linear.gather [hbm4b:s9+s16], $0x80, $0x38;
	[tilespmem:$0x8B00] =	vst v63  }
0xb7: {  	_ =	swait.ge [sflag:s12], $0x80  }
0xb8: {  	[sflag:s12] =	ssyncset.done $0x0  }
0xb9: {  	s17 =	sand.u32 $0x70, s16;
	s18 =	sand.u32 $0x7F00, s16;
	[sflag:s12] =	ssyncadd.s32 $0xFFFFFF80  }
0xba: {  	s18 =	sor.u32 s18, s17;
	v2 =	vld [tilespmem:$0x8A00]  }
0xbb: {  	v4 =	vld [tilespmem:s18+$0x80]  }
0xbc: {  	v1 =	vimm.s32 $0x0;
	v3 =	vimm.f32 $0.0e+00;
	s17 =	simm.s32 $0x10;
	v5 =	vld [tilespmem:s18+$0x4580]  }
.LBB2_22:
0xbd: {  	p0 =	sne.s32 s17, $0x2210  }
.Ltmp10:
0xbe: {  	s18 =	sand.u32 $0x70, s17;
	s16 =	sadd.s32 $0x20, s16;
	(pc) =	sbr.rel @p0 .LBB2_22-.Ltmp10, $4  }
0xbf: {  	s17 =	sadd.s32 $0x10, s17;
	s19 =	sand.u32 $0x7F00, s16  }
0xc0: {  	s18 =	sor.u32 s19, s18;
	vm0 =	vgt.s32 v4, $0x0  }
0xc1: {  	v4 =	vld [tilespmem:s18+$0x80];
	v6 =	vsel vm0, $0x1, v0;
	v7 =	vnsel vm0, $0x0, v5  }
0xc2: {  	v5 =	vld [tilespmem:s18+$0x4580];
	v1 =	vadd.s32 v6, v1;
	v3 =	vadd.f32 v7, v3  }
0xc3: {  	_ =	sdelay $0x2  }
0xc4: {  	vm0 =	vgt.s32 v4, $0x0  }
0xc5: {  	v4 =	vnsel vm0, $0x0, v5  }
0xc6: {  	v3 =	vadd.f32 v4, v3;
	_ =	sdelay $0x1  }
0xc7: {  	(xrf2) =	vadd.scan.msk.f32 $0xffff, v3  }
0xc8: {  	v3 =	vsel vm0, $0x1, v0  }
0xc9: {  	v1 =	vadd.s32 v3, v1  }
0xca: {  	(xrf0) =	vadd.scan.msk.s32 $0xffff, v1  }
0xcb: {  	v1 =	vxor.u32 $0x80000000, v2  }
0xcc: {  	(xrf0) =	vmax.scan.msk.u32 $0xffff, v1;
	_ =	sdelay $0x3  }
0xcd: {  	v1, _, _ =	vpop (xrf0)  }
0xce: {  	(v2sf) =	vpush v1, $0xF;
	v1, _, _ =	vpop (xrf2)  }
0xcf: {  	(v2sf) =	vpush v1, $0xF;
	v1, _, _ =	vpop (xrf0)  }
0xd0: {  	(v2sf) =	vpush v1, $0xF;
	_ =	sdelay $0xc  }
0xd1: {  	s18 =	spop (v2sf)  }
0xd2: {  	s16 =	spop (v2sf)  }
0xd3: {  	s17 =	spop (v2sf)  }
0xd4: {  	s17 =	sxor.u32 $0x80000000, s17  }
0xd5: {  	p0 =	slt.s32 s18, s17  }
.Ltmp11:
0xd6: {  	_ = 	snop;
	(pc) =	sbr.rel @p0 .LBB2_31-.Ltmp11, $2  }
0xd7: {  	_ =	sdelay $0x2  }
0xd8: {  	v3 =	vimm.s32 $0x0;
	v1 =	vimm.s32 $0x0  }
0xd9: {  	s16 =	simm.s32 $0x0;
	v3 =	vimm.s32 $0x1;
	v4 =	vimm.s32 $0x7F800000;
	s17 =	simm.s32 $0x0  }
.LBB2_25:
0xda: {  	s18 =	sand.u32 $0x70, s16;
	s19 =	sand.u32 $0x7F00, s16  }
0xdb: {  	v5 =	vsub.s32 v4, v3;
	s19 =	sor.u32 s18, s19  }
0xdc: {  	v5 =	vshrl.u32 v5, $0x1;
	v7 =	vld [tilespmem:s19+$0x80]  }
0xdd: {  	v6 =	vimm.s32 $0x0;
	s18 =	simm.s32 $0x10;
	v5 =	vadd.s32 v3, v5;
	s19 =	simm.s32 $0x0  }
.LBB2_26:
0xde: {  	p0 =	sne.s32 s18, $0x2210  }
.Ltmp12:
0xdf: {  	s20 =	sand.u32 $0x70, s18;
	s19 =	sadd.s32 $0x20, s19;
	(pc) =	sbr.rel @p0 .LBB2_26-.Ltmp12, $4  }
0xe0: {  	s18 =	sadd.s32 $0x10, s18;
	s21 =	sand.u32 $0x7F00, s19  }
0xe1: {  	s20 =	sor.u32 s20, s21;
	vm0 =	vge.s32 v7, v5  }
0xe2: {  	v7 =	vld [tilespmem:s20+$0x80];
	v8 =	vsel vm0, $0x1, v0  }
0xe3: {  	v6 =	vadd.s32 v8, v6  }
0xe4: {  	_ =	sdelay $0x2  }
0xe5: {  	vm0 =	vge.s32 v7, v5  }
0xe6: {  	v7 =	vsel vm0, $0x1, v0  }
0xe7: {  	v6 =	vadd.s32 v7, v6  }
0xe8: {  	(xrf0) =	vadd.scan.msk.s32 $0xffff, v6;
	_ =	sdelay $0x3  }
0xe9: {  	s17 =	sadd.s32 $0x1, s17  }
0xea: {  	p0 =	sne.s32 s17, $0x1F  }
.Ltmp13:
0xeb: {  	v6, _, _ =	vpop (xrf0);
	(pc) =	sbr.rel @p0 .LBB2_25-.Ltmp13, $3  }
0xec: {  	v6 =	vbroadcast v6, $0xF;
	_ =	sdelay $0x1  }
0xed: {  	vm15 =	vlt.s32 v6, v2  }
0xee: {  	v3 =	vsel vm15, v3, v5;
	v4 =	vsel vm15, v5, v4  }
0xef: {  	s16 =	simm.s32 $0x0  }
0xf0: {  	s17 =	sand.u32 $0x70, s16;
	s18 =	sand.u32 $0x7F00, s16  }
0xf1: {  	s18 =	sor.u32 s18, s17  }
0xf2: {  	v6 =	vld [tilespmem:s18+$0x80]  }
0xf3: {  	v4 =	vimm.s32 $0x0;
	v5 =	vimm.f32 $0.0e+00;
	s17 =	simm.s32 $0x10;
	v7 =	vld [tilespmem:s18+$0x4580]  }
.LBB2_29:
0xf4: {  	p0 =	sne.s32 s17, $0x2210  }
.Ltmp14:
0xf5: {  	s18 =	sand.u32 $0x70, s17;
	s16 =	sadd.s32 $0x20, s16;
	(pc) =	sbr.rel @p0 .LBB2_29-.Ltmp14, $4  }
0xf6: {  	s17 =	sadd.s32 $0x10, s17;
	s19 =	sand.u32 $0x7F00, s16  }
0xf7: {  	s18 =	sor.u32 s19, s18;
	vm0 =	vgt.s32 v6, v3  }
0xf8: {  	v6 =	vld [tilespmem:s18+$0x80];
	v8 =	vsel vm0, $0x1, v0;
	v9 =	vnsel vm0, $0x0, v7  }
0xf9: {  	v7 =	vld [tilespmem:s18+$0x4580];
	v4 =	vadd.s32 v8, v4;
	v5 =	vadd.f32 v9, v5  }
0xfa: {  	_ =	sdelay $0x2  }
0xfb: {  	vm0 =	vgt.s32 v6, v3  }
0xfc: {  	v6 =	vnsel vm0, $0x0, v7  }
0xfd: {  	v5 =	vadd.f32 v6, v5;
	_ =	sdelay $0x1  }
0xfe: {  	(xrf2) =	vadd.scan.msk.f32 $0xffff, v5  }
0xff: {  	v5 =	vsel vm0, $0x1, v0  }
0x100: {  	v4 =	vadd.s32 v5, v4  }
0x101: {  	(xrf0) =	vadd.scan.msk.s32 $0xffff, v4;
	_ =	sdelay $0x5  }
0x102: {  	v4, _, _ =	vpop (xrf0)  }
0x103: {  	(v2sf) =	vpush v4, $0xF;
	v4, _, _ =	vpop (xrf2)  }
0x104: {  	(v2sf) =	vpush v4, $0xF;
	_ =	sdelay $0xd  }
0x105: {  	s18 =	spop (v2sf)  }
0x106: {  	s16 =	spop (v2sf)  }
.LBB2_31:
0x107: {  	s17 =	simm.s32 $0x0  }
0x108: {  	s19 =	sand.u32 $0x70, s17;
	s17 =	sand.u32 $0x7F00, s17  }
0x109: {  	s20 =	sor.u32 s17, s19  }
0x10a: {  	v4 =	vld [tilespmem:s20+$0x80];
	_ =	sdelay $0x2  }
0x10b: {  	s29 =	simm.s32 $0x10;
	s30 =	simm.s32 $0x20  }
0x10c: {  	s17 =	sand.u32 $0x70, s29;
	s19 =	sand.u32 $0x7F00, s30  }
0x10d: {  	s17 =	sor.u32 s19, s17;
	vm0 =	veq.s32 v4, v3  }
0x10e: {  	v5 =	vld [tilespmem:s17+$0x80];
	v4 =	vsel vm0, $0x1, v0  }
0x10f: {  	(xrf0) =	vadd.scan.msk.s32 $0xffff, v4;
	_ =	sdelay $0x2  }
0x110: {  	s31 =	simm.s32 $0x20;
	s19 =	simm.s32 $0x40  }
0x111: {  	s21 =	sand.u32 $0x7F00, s19;
	vm1 =	veq.s32 v5, v3;
	v4 =	vmov s18;
	s18 =	sand.u32 $0x70, s31  }
0x112: {  	v5 =	vld [tilespmem:s20+$0x4580];
	v6 =	vsel vm1, $0x1, v0;
	s18 =	sor.u32 s21, s18  }
0x113: {  	vm0 =	vmmov vm0;
	v7, _, _ =	vpop (xrf0);
	(xrf0) =	vadd.scan.msk.s32 $0xffff, v6;
	v6 =	vld [tilespmem:s18+$0x80]  }
0x114: {  	vm0 =	vmmov vm0;
	vm1 =	vmmov vm1  }
0x115: {  	s20 =	simm.s32 $0x30;
	v2 =	vsub.s32 v2, v4;
	v4 =	vimm.f32 $0.0e+00;
	v7 =	vadd.s32 v1, v7  }
.LBB2_32:
0x116: {  	s21 =	sand.u32 $0x70, s20;
	s19 =	sadd.s32 $0x20, s19;
	vm2 =	vle.s32 v7, v2;
	p0 =	sne.s32 s20, $0x2210  }
.Ltmp15:
0x117: {  	s20 =	sadd.s32 $0x10, s20;
	s22 =	sand.u32 $0x7F00, s19;
	vm2 =	vmand vm0, vm2;
	(pc) =	sbr.rel @p0 .LBB2_32-.Ltmp15, $4  }
0x118: {  	v8 =	vmpcnt.ones.xlane vm0;
	vm3 =	veq.s32 v6, v3;
	v10 =	vnsel vm2, $0x0, v5;
	v5 =	vld [tilespmem:s17+$0x4580];
	s17 =	smov.u32 s18;
	s18 =	sor.u32 s22, s21  }
0x119: {  	vm0 =	vmmov vm1;
	v6 =	vld [tilespmem:s18+$0x80];
	v9 =	vsel vm3, $0x1, v0;
	v4 =	vadd.f32 v10, v4  }
0x11a: {  	v1 =	vadd.s32 v1, v8;
	vm1 =	vmmov vm3;
	(xrf0) =	vadd.scan.msk.s32 $0xffff, v9;
	v7, _, _ =	vpop (xrf0)  }
0x11b: {  	v7 =	vadd.s32 v1, v7  }
0x11c: {  	_ =	sdelay $0x1  }
0x11d: {  	vm2 =	veq.s32 v6, v3  }
0x11e: {  	v3 =	vsel vm2, $0x1, v0  }
0x11f: {  	(xrf0) =	vadd.scan.msk.s32 $0xffff, v3;
	v3 =	vmpcnt.ones.xlane vm0  }
0x120: {  	vm1 =	vmmov vm1  }
0x121: {  	v1 =	vadd.s32 v1, v3;
	v3 =	vmpcnt.ones.xlane vm1  }
0x122: {  	vm3 =	vle.s32 v7, v2;
	v62 =	vld [tilespmem:s17+$0x4580]  }
0x123: {  	vm12 =	vmand vm0, vm3;
	v63, _, _ =	vpop (xrf0)  }
0x124: {  	v8 =	vld [tilespmem:s18+$0x4580];
	v5 =	vnsel vm12, $0x0, v5;
	v7 =	vadd.s32 v1, v63  }
0x125: {  	v4 =	vadd.f32 v5, v4;
	vm13 =	vle.s32 v7, v2;
	v1 =	vadd.s32 v1, v3;
	v3, _, _ =	vpop (xrf0)  }
0x126: {  	vm2 =	vmmov vm2;
	vm0 =	vmand vm1, vm13;
	v1 =	vadd.s32 v1, v3  }
0x127: {  	vm14 =	vmmov vm2;
	v3 =	vnsel vm0, $0x0, v62;
	vm15 =	vle.s32 v1, v2  }
0x128: {  	v1 =	vadd.f32 v3, v4;
	vm0 =	vmand vm14, vm15  }
0x129: {  	v2 =	vnsel vm0, $0x0, v8  }
0x12a: {  	v1 =	vadd.f32 v2, v1;
	_ =	sdelay $0x1  }
0x12b: {  	(xrf2) =	vadd.scan.msk.f32 $0xffff, v1;
	_ =	sdelay $0x9  }
0x12c: {  	v1, _, _ =	vpop (xrf2)  }
0x12d: {  	(v2sf) =	vpush v1, $0xF;
	_ =	sdelay $0xe  }
0x12e: {  	s31 =	spop (v2sf)  }
0x12f: {  	s16 =	sadd.f32 s31, s16  }
0x130: {  	s15 =	sadd.s32 $0x1, s15  }
0x131: {  	p0 =	sne.s32 s15, s11;
	v1 =	vmov s16  }
.Ltmp16:
0x132: {  	[tilespmem:$0x8A80] =	vst v1;
	(pc) =	sbr.rel @p0 .LBB2_1-.Ltmp16, $4  }
0x133: {  	[hbm4b:s10+s2] =	stream.linear.scatter [tilespmem:s14], [sflag:$0x1], $0x80, $0x38;
	[tilespmem:$0x8B00] =	vst v63  }
0x134: {  	_ =	swait.ge [sflag:s12], $0x80  }
0x135: {  	[sflag:s12] =	ssyncset.done $0x0  }
0x136: {  	[sflag:s12] =	ssyncadd.s32 $0xFFFFFF80  }
0x137: {  	_ =	sfence.sel $0x180000  }
0x138: {  	[bflag:$0x0] =	sbarrier.arrive $0xFFFF  }
0x139: {  	p0 =	sne.s32 s1, $0x0;
	_ =	strace $0x90000047  }
0x13a: {  	s0 =	sadd.s32 @!p0 $0x100000, s0;
	[bflag:$0x2] =	sbarrier.arrive $0xFFFF  }
0x13b: {  	[sflag:s0] =	ssyncadd.tile.s32 @!p0 $0x1;
	_ =	shalt  }
.Lfunc_end2:
_tile_overlayer_lowered:
.L_overlay_start_2:
0x13c: {  	(tag) =	ssettag $0x2  }
0x13d: {  	s0 =	rddreg [dreg:$0x0];
	s2 =	stileid.u32  }
0x13e: {  	s1 =	rddreg [dreg:$0x1];
	p0 =	sne.s32 s2, $0x0  }
0x13f: {  	s3 =	rddreg [dreg:$0x2];
	[bflag:$0x3] =	sbarrier.arrive $0xFFFF;
	s2 =	simm.s32 @!p0 $0x1C01  }
0x140: {  	[timem:s3], [sflag:s2] =	dma.local @!p0 [hbm:s0], s1  }
0x141: {  	s0 =	simm.s32 @!p0 $0x1  }
0x142: {  	_ =	swait.ge @!p0 [sflag:s0], s1  }
0x143: {  	s1 =	ssub.s32 @!p0 $0x0, s1;
	[sflag:s0] =	ssyncset.done @!p0 $0x0  }
0x144: {  	[sflag:s0] =	ssyncadd.s32 @!p0 s1  }
0x145: {  	[bflag:$0x3] =	sbarrier.arrive $0xFFFF  }
0x146: {  	_ =	shalt  }

</sc_bundles>
